<compile_context>
chip_gen: v7x
topology: tpu7x:2x2x1
jax: 0.10.2.dev20260603
libtpu: 0.0.44.dev20260713+nightly
codegen_flags: <defaults>
</compile_context>

<pallas_src>
import functools

import jax
import jax.numpy as jnp
from jax import lax
from jax.experimental import pallas as pl
from jax.experimental.pallas import tpu as pltpu
from jax.experimental.pallas import tpu_sc as plsc

N, E, NFEAT, NHID = 10000, 320000, 128, 128
BN_EPS = 1e-5
SN_EPS = 1e-12

NC, NS = 2, 16
NW = NC * NS
CHUNK = 128
EPT = E // NW
NFULL = EPT // CHUNK
TAIL = EPT - NFULL * CHUNK
N_SC = 10240
RPT = N_SC // NS


def _sc_aggregate_body(x_hbm, ei_hbm, out_hbm,
                       srcall, dstv, rows, dstt, rowst, agg, sem):
    c = lax.axis_index("c")
    s = lax.axis_index("s")
    row0 = s * RPT

    zvec = jnp.zeros((16,), jnp.float32)

    def zbody(i, carry):
        rows[i >> 3, pl.ds((i & 7) * 16, 16)] = zvec
        return carry

    lax.fori_loop(0, CHUNK * 8, zbody, 0)
    for kk in range(RPT // CHUNK):
        pltpu.sync_copy(rows, agg.at[pl.ds(row0 + kk * CHUNK, CHUNK)])
    plsc.subcore_barrier()

    wid = s * NC + c
    ebase = wid * EPT

    pltpu.sync_copy(ei_hbm.at[pl.ds(pl.multiple_of(ebase, 16), EPT)], srcall)

    def body(j, carry):
        off = pl.multiple_of(ebase + j * CHUNK, 16)
        pltpu.sync_copy(ei_hbm.at[pl.ds(E + off, CHUNK)], dstv)
        pltpu.async_copy(x_hbm.at[srcall.at[pl.ds(j * CHUNK, CHUNK)]],
                         rows, sem).wait()
        pltpu.sync_copy(rows, agg.at[dstv], add=True)
        return carry

    lax.fori_loop(0, NFULL, body, 0)

    offt = ebase + NFULL * CHUNK
    pltpu.sync_copy(ei_hbm.at[pl.ds(E + offt, TAIL)], dstt)
    pltpu.async_copy(x_hbm.at[srcall.at[pl.ds(NFULL * CHUNK, TAIL)]],
                     rowst, sem).wait()
    pltpu.sync_copy(rowst, agg.at[dstt], add=True)

    plsc.subcore_barrier()

    pltpu.sync_copy(agg.at[pl.ds(row0, RPT)],
                    out_hbm.at[c, pl.ds(row0, RPT)])


@functools.cache
def _get_sc_aggregate():
    mesh = plsc.VectorSubcoreMesh(core_axis_name="c", subcore_axis_name="s",
                                  num_cores=NC, num_subcores=NS)
    return pl.kernel(
        _sc_aggregate_body,
        out_type=jax.ShapeDtypeStruct((NC, N_SC, NFEAT), jnp.float32),
        mesh=mesh,
        scratch_types=[
            pltpu.VMEM((EPT,), jnp.int32),
            pltpu.VMEM((CHUNK,), jnp.int32),
            pltpu.VMEM((CHUNK, NFEAT), jnp.float32),
            pltpu.VMEM((TAIL,), jnp.int32),
            pltpu.VMEM((TAIL, NFEAT), jnp.float32),
            pltpu.VMEM_SHARED((N_SC, NFEAT), jnp.float32),
            pltpu.SemaphoreType.DMA,
        ],
    )


_PREC = lax.Precision.HIGHEST


def _spectral(W, u):
    vT = lax.dot_general(u, W, (((1,), (0,)), ((), ())),
                         precision=_PREC)
    v = vT / (jnp.sqrt(jnp.sum(vT * vT)) + SN_EPS)
    Wv = lax.dot_general(v, W, (((1,), (1,)), ((), ())),
                         precision=_PREC)
    u_new = Wv / (jnp.sqrt(jnp.sum(Wv * Wv)) + SN_EPS)
    sigma = jnp.sum(u_new * Wv)
    return W * (1.0 / sigma)


BLK = 2000
GRID = N // BLK


def _tc_body(x_ref, agg_ref, w1_ref, b1_ref, u1_ref, g_ref, be_ref,
             w2_ref, b2_ref, u2_ref, out_ref, hbuf, sbuf, qbuf):
    i = pl.program_id(0)

    @pl.when(i < GRID)
    def _():
        W1n = _spectral(w1_ref[...], u1_ref[...])
        h0 = x_ref[...] + agg_ref[0] + agg_ref[1]
        h = lax.dot_general(h0, W1n, (((1,), (1,)), ((), ())),
                            precision=_PREC)
        h = jnp.maximum(h + b1_ref[...], 0.0)
        hbuf[pl.ds(i * BLK, BLK), :] = h

        @pl.when(i == 0)
        def _():
            sbuf[...] = jnp.zeros_like(sbuf)
            qbuf[...] = jnp.zeros_like(qbuf)

        sbuf[...] += jnp.sum(h, axis=0, keepdims=True)
        qbuf[...] += jnp.sum(h * h, axis=0, keepdims=True)

    @pl.when(i >= GRID)
    def _():
        ib = i - GRID
        W2n = _spectral(w2_ref[...], u2_ref[...])
        mean = sbuf[...] * (1.0 / N)
        var = qbuf[...] * (1.0 / N) - mean * mean
        sc = g_ref[...] * lax.rsqrt(var + BN_EPS)
        W2eff = W2n * sc
        cvec = lax.dot_general(be_ref[...] - mean * sc, W2n,
                               (((1,), (1,)), ((), ())), precision=_PREC)
        cvec = cvec + b2_ref[...]
        h = hbuf[pl.ds(ib * BLK, BLK), :]
        out = lax.dot_general(h, W2eff, (((1,), (1,)), ((), ())),
                              precision=_PREC)
        out_ref[...] = out + cvec


def _make_tc(interpret=False):
    vec = pl.BlockSpec((1, NHID), lambda i: (0, 0))
    return pl.pallas_call(
        _tc_body,
        grid=(2 * GRID,),
        in_specs=[
            pl.BlockSpec((BLK, NFEAT),
                         lambda i: (jnp.where(i < GRID, i, GRID - 1), 0)),
            pl.BlockSpec((NC, BLK, NFEAT),
                         lambda i: (0, jnp.where(i < GRID, i, GRID - 1), 0)),
            pl.BlockSpec((NHID, NFEAT), lambda i: (0, 0)),
            vec, vec, vec, vec,
            pl.BlockSpec((NHID, NHID), lambda i: (0, 0)),
            vec, vec,
        ],
        out_specs=pl.BlockSpec((BLK, NHID),
                               lambda i: (jnp.where(i < GRID, 0, i - GRID), 0)),
        out_shape=jax.ShapeDtypeStruct((N, NHID), jnp.float32),
        scratch_shapes=[
            pltpu.VMEM((N, NHID), jnp.float32),
            pltpu.VMEM((1, NHID), jnp.float32),
            pltpu.VMEM((1, NHID), jnp.float32),
        ],
        interpret=interpret,
    )


_tc = _make_tc()


def kernel(x, edge_index, W1, b1, gamma, beta, W2, b2, u1, u2):
    ei_flat = edge_index.reshape(2 * E)

    aggs = _get_sc_aggregate()(x, ei_flat)

    out = _tc(x, aggs, W1, b1.reshape(1, -1), u1.reshape(1, -1),
              gamma.reshape(1, -1), beta.reshape(1, -1),
              W2, b2.reshape(1, -1), u2.reshape(1, -1))
    return out

# --- scband reference (transcript-rebuilt; emitter-appended) ---
"""Pipeline reference for scband-gin-6356551598797 (READ-ONLY COPY).

The authoritative reference and input builder live on the scoring server;
editing this copy changes nothing except your own understanding.
"""

import jax, jax.numpy as jnp
import numpy as np

N, E, NFEAT, NHID = 10000, 320000, 128, 128
BN_EPS = 1e-5
SN_EPS = 1e-12


def _l2norm(v, eps=SN_EPS):
    return v / (jnp.linalg.norm(v) + eps)


def _spectral_norm_weight(W, u):
    # one power-iteration step (torch default n_power_iterations=1)
    v = _l2norm(W.T @ u)
    u_new = _l2norm(W @ v)
    u_new = jax.lax.stop_gradient(u_new)
    v = jax.lax.stop_gradient(v)
    sigma = u_new @ (W @ v)
    return W / sigma


def setup_inputs(seed: int = 0) -> dict:
    key = jax.random.key(seed)
    ks = jax.random.split(key, 8)
    x = jax.random.normal(ks[0], (N, NFEAT), dtype=jnp.float32)
    edge_index = jax.random.randint(ks[1], (2, E), 0, N, dtype=jnp.int32)
    # linear weights (kaiming-ish scale)
    W1 = jax.random.normal(ks[2], (NHID, NFEAT), dtype=jnp.float32) * (1.0 / np.sqrt(NFEAT))
    b1 = jnp.zeros((NHID,), dtype=jnp.float32)
    W2 = jax.random.normal(ks[3], (NHID, NHID), dtype=jnp.float32) * (1.0 / np.sqrt(NHID))
    b2 = jnp.zeros((NHID,), dtype=jnp.float32)
    # batchnorm affine params
    gamma = jnp.ones((NHID,), dtype=jnp.float32)
    beta = jnp.zeros((NHID,), dtype=jnp.float32)
    # spectral-norm power-iteration buffers (fixed, like torch buffers)
    u1 = _l2norm(jax.random.normal(ks[4], (NHID,), dtype=jnp.float32))
    u2 = _l2norm(jax.random.normal(ks[5], (NHID,), dtype=jnp.float32))
    return {"x": x, "edge_index": edge_index, "W1": W1, "b1": b1,
            "gamma": gamma, "beta": beta, "W2": W2, "b2": b2,
            "u1": u1, "u2": u2}


def reference(x, edge_index, W1, b1, gamma, beta, W2, b2, u1, u2):
    src = edge_index[0]
    dst = edge_index[1]
    # GINConv aggregation: sum of neighbor features (scatter-add to dst)
    msgs = jnp.take(x, src, axis=0)
    agg = jax.ops.segment_sum(msgs, dst, num_segments=x.shape[0])
    h = (1.0 + 0.0) * x + agg  # eps = 0 (GINConv default)
    # mlp1: spectral_norm(Linear) -> ReLU -> BatchNorm1d (training stats) -> spectral_norm(Linear)
    W1n = _spectral_norm_weight(W1, u1)
    h = h @ W1n.T + b1
    h = jax.nn.relu(h)
    mean = jnp.mean(h, axis=0)
    var = jnp.var(h, axis=0)  # biased variance, matches torch BN training normalization
    h = (h - mean) / jnp.sqrt(var + BN_EPS) * gamma + beta
    W2n = _spectral_norm_weight(W2, u2)
    h = h @ W2n.T + b2
    return h

if __name__ == "__main__":
    import jax
    _d = setup_inputs()
    print(jax.jit(kernel)(*tuple(_d.values())))

</pallas_src>

<mosaic_0001>
#map = affine_map<(d0, d1) -> (0, 0)>
#map1 = affine_map<(d0, d1) -> (0)>
#map2 = affine_map<(d0, d1) -> (0, 0, 0)>
module attributes {stable_mosaic.version = 14 : i64} {
  func.func @_sc_aggregate_body(%arg0: i32, %arg1: i32, %arg2: memref<10000x128xf32, #tpu.memory_space<hbm>>, %arg3: memref<640000xi32, #tpu.memory_space<hbm>>, %arg4: memref<2x10240x128xf32, #tpu.memory_space<hbm>>, %arg5: memref<10000xi32, #tpu.memory_space<vmem>>, %arg6: memref<128xi32, #tpu.memory_space<vmem>>, %arg7: memref<128x128xf32, #tpu.memory_space<vmem>>, %arg8: memref<16xi32, #tpu.memory_space<vmem>>, %arg9: memref<16x128xf32, #tpu.memory_space<vmem>>, %arg10: memref<10240x128xf32, #tpu.memory_space<vmem_shared>>, %arg11: memref<!tpu.dma_semaphore, #tpu.memory_space<semaphore_mem>>) attributes {dimension_semantics = [#tpu.dimension_semantics<core_parallel>, #tpu.dimension_semantics<subcore_parallel>], iteration_bounds = array<i64: 2, 16>, scalar_prefetch = 0 : i64, scratch_operands = 7 : i64, tpu.core_type = #tpu.core_type<sc_vector_subcore>, window_params = [{transform_indices = #map}, {transform_indices = #map1}, {transform_indices = #map2}]} {
    %mul3A = arith.constant 640 : i32
    %mul3A_0 = arith.muli %arg1, %mul3A : i32
    %broadcast_in_dim3A = arith.constant 0.000000e+00 : f32
    %broadcast_in_dim3A_1 = vector.broadcast %broadcast_in_dim3A : f32 to vector<16xf32>
    %scan3A = arith.constant 0 : i32
    %scan3A_2 = arith.constant 0 : i32
    %scan3A_3 = arith.constant 1024 : i32
    %scan3A_4 = arith.addi %scan3A_2, %scan3A_3 : i32
    %scan3A_5 = arith.constant 1 : i32
    scf.for %scan3A_40 = %scan3A_2 to %scan3A_4 step %scan3A_5  : i32 {
      %shift_right_arithmetic3A = arith.constant 3 : i32
      %shift_right_arithmetic3A_41 = arith.shrsi %scan3A_40, %shift_right_arithmetic3A : i32
      %and3A = arith.constant 7 : i32
      %and3A_42 = arith.andi %scan3A_40, %and3A : i32
      %mul3A_43 = arith.constant 16 : i32
      %mul3A_44 = arith.muli %and3A_42, %mul3A_43 : i32
      %swap3A = arith.index_cast %shift_right_arithmetic3A_41 : i32 to index
      %swap3A_45 = arith.index_cast %mul3A_44 : i32 to index
      %swap3A_46 = tpu.vector_load %arg7[%swap3A, %swap3A_45] {strides = array<i32>} : memref<128x128xf32, #tpu.memory_space<vmem>>, vector<1x16xf32>,
      %swap3A_47 = vector.shape_cast %swap3A_46 : vector<1x16xf32> to vector<16xf32>
      %swap3A_48 = vector.shape_cast %broadcast_in_dim3A_1 : vector<16xf32> to vector<1x16xf32>
      tpu.vector_store %arg7[%swap3A, %swap3A_45], %swap3A_48 {strides = array<i32>} : memref<128x128xf32, #tpu.memory_space<vmem>>, vector<1x16xf32>,
    }
    %scan3A_6 = arith.constant 1024 : i32
    %add3A = arith.constant 0 : i32
    %add3A_7 = arith.addi %mul3A_0, %add3A : i32
    "tpu.region"() ({
      %run_scoped3A = tpu.sem_alloc : memref<!tpu.dma_semaphore, #tpu.memory_space<semaphore_mem>>
      %dma_start3A_40 = arith.constant 0 : i32
      %dma_start3A_41 = tpu.memref_slice %arg10[%add3A_7, %dma_start3A_40] : memref<10240x128xf32, #tpu.memory_space<vmem_shared>> -> memref<128x128xf32, #tpu.memory_space<vmem_shared>>
      %dma_start3A_42 = arith.constant 0 : i32
      %dma_start3A_43 = tpu.memref_slice %arg10[%add3A_7, %dma_start3A_42] : memref<10240x128xf32, #tpu.memory_space<vmem_shared>> -> memref<128x128xf32, #tpu.memory_space<vmem_shared>>
      tpu.enqueue_dma source(%arg7 : memref<128x128xf32, #tpu.memory_space<vmem>>) target(%dma_start3A_43 : memref<128x128xf32, #tpu.memory_space<vmem_shared>>) target_semaphore(%run_scoped3A : memref<!tpu.dma_semaphore, #tpu.memory_space<semaphore_mem>>)
      %dma_wait3A_44 = arith.constant 0 : i32
      %dma_wait3A_45 = tpu.memref_slice %arg10[%add3A_7, %dma_wait3A_44] : memref<10240x128xf32, #tpu.memory_space<vmem_shared>> -> memref<128x128xf32, #tpu.memory_space<vmem_shared>>
      %dma_wait3A_46 = arith.constant 0 : i32
      %dma_wait3A_47 = tpu.memref_slice %arg10[%add3A_7, %dma_wait3A_46] : memref<10240x128xf32, #tpu.memory_space<vmem_shared>> -> memref<128x128xf32, #tpu.memory_space<vmem_shared>>
      tpu.wait_dma2 semaphore(%run_scoped3A : memref<!tpu.dma_semaphore, #tpu.memory_space<semaphore_mem>>) src(%arg7 : memref<128x128xf32, #tpu.memory_space<vmem>>) dst(%dma_wait3A_47 : memref<128x128xf32, #tpu.memory_space<vmem_shared>>)
      tpu.yield
    }) : () -> ()
    %add3A_8 = arith.constant 128 : i32
    %add3A_9 = arith.addi %mul3A_0, %add3A_8 : i32
    "tpu.region"() ({
      %run_scoped3A = tpu.sem_alloc : memref<!tpu.dma_semaphore, #tpu.memory_space<semaphore_mem>>
      %dma_start3A_40 = arith.constant 0 : i32
      %dma_start3A_41 = tpu.memref_slice %arg10[%add3A_9, %dma_start3A_40] : memref<10240x128xf32, #tpu.memory_space<vmem_shared>> -> memref<128x128xf32, #tpu.memory_space<vmem_shared>>
      %dma_start3A_42 = arith.constant 0 : i32
      %dma_start3A_43 = tpu.memref_slice %arg10[%add3A_9, %dma_start3A_42] : memref<10240x128xf32, #tpu.memory_space<vmem_shared>> -> memref<128x128xf32, #tpu.memory_space<vmem_shared>>
      tpu.enqueue_dma source(%arg7 : memref<128x128xf32, #tpu.memory_space<vmem>>) target(%dma_start3A_43 : memref<128x128xf32, #tpu.memory_space<vmem_shared>>) target_semaphore(%run_scoped3A : memref<!tpu.dma_semaphore, #tpu.memory_space<semaphore_mem>>)
      %dma_wait3A_44 = arith.constant 0 : i32
      %dma_wait3A_45 = tpu.memref_slice %arg10[%add3A_9, %dma_wait3A_44] : memref<10240x128xf32, #tpu.memory_space<vmem_shared>> -> memref<128x128xf32, #tpu.memory_space<vmem_shared>>
      %dma_wait3A_46 = arith.constant 0 : i32
      %dma_wait3A_47 = tpu.memref_slice %arg10[%add3A_9, %dma_wait3A_46] : memref<10240x128xf32, #tpu.memory_space<vmem_shared>> -> memref<128x128xf32, #tpu.memory_space<vmem_shared>>
      tpu.wait_dma2 semaphore(%run_scoped3A : memref<!tpu.dma_semaphore, #tpu.memory_space<semaphore_mem>>) src(%arg7 : memref<128x128xf32, #tpu.memory_space<vmem>>) dst(%dma_wait3A_47 : memref<128x128xf32, #tpu.memory_space<vmem_shared>>)
      tpu.yield
    }) : () -> ()
    %add3A_10 = arith.constant 256 : i32
    %add3A_11 = arith.addi %mul3A_0, %add3A_10 : i32
    "tpu.region"() ({
      %run_scoped3A = tpu.sem_alloc : memref<!tpu.dma_semaphore, #tpu.memory_space<semaphore_mem>>
      %dma_start3A_40 = arith.constant 0 : i32
      %dma_start3A_41 = tpu.memref_slice %arg10[%add3A_11, %dma_start3A_40] : memref<10240x128xf32, #tpu.memory_space<vmem_shared>> -> memref<128x128xf32, #tpu.memory_space<vmem_shared>>
      %dma_start3A_42 = arith.constant 0 : i32
      %dma_start3A_43 = tpu.memref_slice %arg10[%add3A_11, %dma_start3A_42] : memref<10240x128xf32, #tpu.memory_space<vmem_shared>> -> memref<128x128xf32, #tpu.memory_space<vmem_shared>>
      tpu.enqueue_dma source(%arg7 : memref<128x128xf32, #tpu.memory_space<vmem>>) target(%dma_start3A_43 : memref<128x128xf32, #tpu.memory_space<vmem_shared>>) target_semaphore(%run_scoped3A : memref<!tpu.dma_semaphore, #tpu.memory_space<semaphore_mem>>)
      %dma_wait3A_44 = arith.constant 0 : i32
      %dma_wait3A_45 = tpu.memref_slice %arg10[%add3A_11, %dma_wait3A_44] : memref<10240x128xf32, #tpu.memory_space<vmem_shared>> -> memref<128x128xf32, #tpu.memory_space<vmem_shared>>
      %dma_wait3A_46 = arith.constant 0 : i32
      %dma_wait3A_47 = tpu.memref_slice %arg10[%add3A_11, %dma_wait3A_46] : memref<10240x128xf32, #tpu.memory_space<vmem_shared>> -> memref<128x128xf32, #tpu.memory_space<vmem_shared>>
      tpu.wait_dma2 semaphore(%run_scoped3A : memref<!tpu.dma_semaphore, #tpu.memory_space<semaphore_mem>>) src(%arg7 : memref<128x128xf32, #tpu.memory_space<vmem>>) dst(%dma_wait3A_47 : memref<128x128xf32, #tpu.memory_space<vmem_shared>>)
      tpu.yield
    }) : () -> ()
    %add3A_12 = arith.constant 384 : i32
    %add3A_13 = arith.addi %mul3A_0, %add3A_12 : i32
    "tpu.region"() ({
      %run_scoped3A = tpu.sem_alloc : memref<!tpu.dma_semaphore, #tpu.memory_space<semaphore_mem>>
      %dma_start3A_40 = arith.constant 0 : i32
      %dma_start3A_41 = tpu.memref_slice %arg10[%add3A_13, %dma_start3A_40] : memref<10240x128xf32, #tpu.memory_space<vmem_shared>> -> memref<128x128xf32, #tpu.memory_space<vmem_shared>>
      %dma_start3A_42 = arith.constant 0 : i32
      %dma_start3A_43 = tpu.memref_slice %arg10[%add3A_13, %dma_start3A_42] : memref<10240x128xf32, #tpu.memory_space<vmem_shared>> -> memref<128x128xf32, #tpu.memory_space<vmem_shared>>
      tpu.enqueue_dma source(%arg7 : memref<128x128xf32, #tpu.memory_space<vmem>>) target(%dma_start3A_43 : memref<128x128xf32, #tpu.memory_space<vmem_shared>>) target_semaphore(%run_scoped3A : memref<!tpu.dma_semaphore, #tpu.memory_space<semaphore_mem>>)
      %dma_wait3A_44 = arith.constant 0 : i32
      %dma_wait3A_45 = tpu.memref_slice %arg10[%add3A_13, %dma_wait3A_44] : memref<10240x128xf32, #tpu.memory_space<vmem_shared>> -> memref<128x128xf32, #tpu.memory_space<vmem_shared>>
      %dma_wait3A_46 = arith.constant 0 : i32
      %dma_wait3A_47 = tpu.memref_slice %arg10[%add3A_13, %dma_wait3A_46] : memref<10240x128xf32, #tpu.memory_space<vmem_shared>> -> memref<128x128xf32, #tpu.memory_space<vmem_shared>>
      tpu.wait_dma2 semaphore(%run_scoped3A : memref<!tpu.dma_semaphore, #tpu.memory_space<semaphore_mem>>) src(%arg7 : memref<128x128xf32, #tpu.memory_space<vmem>>) dst(%dma_wait3A_47 : memref<128x128xf32, #tpu.memory_space<vmem_shared>>)
      tpu.yield
    }) : () -> ()
    %add3A_14 = arith.constant 512 : i32
    %add3A_15 = arith.addi %mul3A_0, %add3A_14 : i32
    "tpu.region"() ({
      %run_scoped3A = tpu.sem_alloc : memref<!tpu.dma_semaphore, #tpu.memory_space<semaphore_mem>>
      %dma_start3A_40 = arith.constant 0 : i32
      %dma_start3A_41 = tpu.memref_slice %arg10[%add3A_15, %dma_start3A_40] : memref<10240x128xf32, #tpu.memory_space<vmem_shared>> -> memref<128x128xf32, #tpu.memory_space<vmem_shared>>
      %dma_start3A_42 = arith.constant 0 : i32
      %dma_start3A_43 = tpu.memref_slice %arg10[%add3A_15, %dma_start3A_42] : memref<10240x128xf32, #tpu.memory_space<vmem_shared>> -> memref<128x128xf32, #tpu.memory_space<vmem_shared>>
      tpu.enqueue_dma source(%arg7 : memref<128x128xf32, #tpu.memory_space<vmem>>) target(%dma_start3A_43 : memref<128x128xf32, #tpu.memory_space<vmem_shared>>) target_semaphore(%run_scoped3A : memref<!tpu.dma_semaphore, #tpu.memory_space<semaphore_mem>>)
      %dma_wait3A_44 = arith.constant 0 : i32
      %dma_wait3A_45 = tpu.memref_slice %arg10[%add3A_15, %dma_wait3A_44] : memref<10240x128xf32, #tpu.memory_space<vmem_shared>> -> memref<128x128xf32, #tpu.memory_space<vmem_shared>>
      %dma_wait3A_46 = arith.constant 0 : i32
      %dma_wait3A_47 = tpu.memref_slice %arg10[%add3A_15, %dma_wait3A_46] : memref<10240x128xf32, #tpu.memory_space<vmem_shared>> -> memref<128x128xf32, #tpu.memory_space<vmem_shared>>
      tpu.wait_dma2 semaphore(%run_scoped3A : memref<!tpu.dma_semaphore, #tpu.memory_space<semaphore_mem>>) src(%arg7 : memref<128x128xf32, #tpu.memory_space<vmem>>) dst(%dma_wait3A_47 : memref<128x128xf32, #tpu.memory_space<vmem_shared>>)
      tpu.yield
    }) : () -> ()
    %barrier3A = arith.constant 0 : index
    tpu.barrier barrier_id(%barrier3A)
    %mul3A_16 = arith.constant 2 : i32
    %mul3A_17 = arith.muli %arg1, %mul3A_16 : i32
    %add3A_18 = arith.addi %mul3A_17, %arg0 : i32
    %mul3A_19 = arith.constant 10000 : i32
    %mul3A_20 = arith.muli %add3A_18, %mul3A_19 : i32
    %multiple_of3A = tpu.assume_multiple %mul3A_20, 16 : i32
    "tpu.region"() ({
      %run_scoped3A = tpu.sem_alloc : memref<!tpu.dma_semaphore, #tpu.memory_space<semaphore_mem>>
      %dma_start3A_40 = tpu.memref_slice %arg3[%multiple_of3A] : memref<640000xi32, #tpu.memory_space<hbm>> -> memref<10000xi32, #tpu.memory_space<hbm>>
      %dma_start3A_41 = tpu.memref_slice %arg3[%multiple_of3A] : memref<640000xi32, #tpu.memory_space<hbm>> -> memref<10000xi32, #tpu.memory_space<hbm>>
      tpu.enqueue_dma source(%dma_start3A_41 : memref<10000xi32, #tpu.memory_space<hbm>>) target(%arg5 : memref<10000xi32, #tpu.memory_space<vmem>>) target_semaphore(%run_scoped3A : memref<!tpu.dma_semaphore, #tpu.memory_space<semaphore_mem>>)
      %dma_wait3A_42 = tpu.memref_slice %arg3[%multiple_of3A] : memref<640000xi32, #tpu.memory_space<hbm>> -> memref<10000xi32, #tpu.memory_space<hbm>>
      %dma_wait3A_43 = tpu.memref_slice %arg3[%multiple_of3A] : memref<640000xi32, #tpu.memory_space<hbm>> -> memref<10000xi32, #tpu.memory_space<hbm>>
      tpu.wait_dma2 semaphore(%run_scoped3A : memref<!tpu.dma_semaphore, #tpu.memory_space<semaphore_mem>>) src(%dma_wait3A_43 : memref<10000xi32, #tpu.memory_space<hbm>>) dst(%arg5 : memref<10000xi32, #tpu.memory_space<vmem>>)
      tpu.yield
    }) : () -> ()
    %scan3A_21 = arith.constant 0 : i32
    %scan3A_22 = arith.constant 0 : i32
    %scan3A_23 = arith.constant 78 : i32
    %scan3A_24 = arith.addi %scan3A_22, %scan3A_23 : i32
    %scan3A_25 = arith.constant 1 : i32
    scf.for %scan3A_40 = %scan3A_22 to %scan3A_24 step %scan3A_25  : i32 {
      %mul3A_41 = arith.constant 128 : i32
      %mul3A_42 = arith.muli %scan3A_40, %mul3A_41 : i32
      %add3A_43 = arith.addi %mul3A_20, %mul3A_42 : i32
      %multiple_of3A_44 = tpu.assume_multiple %add3A_43, 16 : i32
      %add3A_45 = arith.constant 320000 : i32
      %add3A_46 = arith.addi %add3A_45, %multiple_of3A_44 : i32
      "tpu.region"() ({
        %run_scoped3A = tpu.sem_alloc : memref<!tpu.dma_semaphore, #tpu.memory_space<semaphore_mem>>
        %dma_start3A_57 = tpu.memref_slice %arg3[%add3A_46] : memref<640000xi32, #tpu.memory_space<hbm>> -> memref<128xi32, #tpu.memory_space<hbm>>
        %dma_start3A_58 = tpu.memref_slice %arg3[%add3A_46] : memref<640000xi32, #tpu.memory_space<hbm>> -> memref<128xi32, #tpu.memory_space<hbm>>
        tpu.enqueue_dma source(%dma_start3A_58 : memref<128xi32, #tpu.memory_space<hbm>>) target(%arg6 : memref<128xi32, #tpu.memory_space<vmem>>) target_semaphore(%run_scoped3A : memref<!tpu.dma_semaphore, #tpu.memory_space<semaphore_mem>>)
        %dma_wait3A_59 = tpu.memref_slice %arg3[%add3A_46] : memref<640000xi32, #tpu.memory_space<hbm>> -> memref<128xi32, #tpu.memory_space<hbm>>
        %dma_wait3A_60 = tpu.memref_slice %arg3[%add3A_46] : memref<640000xi32, #tpu.memory_space<hbm>> -> memref<128xi32, #tpu.memory_space<hbm>>
        tpu.wait_dma2 semaphore(%run_scoped3A : memref<!tpu.dma_semaphore, #tpu.memory_space<semaphore_mem>>) src(%dma_wait3A_60 : memref<128xi32, #tpu.memory_space<hbm>>) dst(%arg6 : memref<128xi32, #tpu.memory_space<vmem>>)
        tpu.yield
      }) : () -> ()
      %mul3A_47 = arith.constant 128 : i32
      %mul3A_48 = arith.muli %scan3A_40, %mul3A_47 : i32
      %dma_start3A_49 = tpu.memref_slice %arg5[%mul3A_48] : memref<10000xi32, #tpu.memory_space<vmem>> -> memref<128xi32, #tpu.memory_space<vmem>>
      %dma_start3A_50 = arith.constant 0 : i32
      %dma_start3A_51 = arith.constant 0 : i32
      %dma_start3A_52 = tpu.memref_slice %arg2[%dma_start3A_50, %dma_start3A_51] : memref<10000x128xf32, #tpu.memory_space<hbm>> -> memref<10000x128xf32, #tpu.memory_space<hbm>>
      tpu.enqueue_indirect_dma source(%dma_start3A_52 : memref<10000x128xf32, #tpu.memory_space<hbm>>) target(%arg7 : memref<128x128xf32, #tpu.memory_space<vmem>>) offsets(%dma_start3A_49 : memref<128xi32, #tpu.memory_space<vmem>>) semaphore(%arg11 : memref<!tpu.dma_semaphore, #tpu.memory_space<semaphore_mem>>)
      %dma_wait3A_53 = tpu.memref_slice %arg5[%mul3A_48] : memref<10000xi32, #tpu.memory_space<vmem>> -> memref<128xi32, #tpu.memory_space<vmem>>
      %dma_wait3A_54 = arith.constant 0 : i32
      %dma_wait3A_55 = arith.constant 0 : i32
      %dma_wait3A_56 = tpu.memref_slice %arg2[%dma_wait3A_54, %dma_wait3A_55] : memref<10000x128xf32, #tpu.memory_space<hbm>> -> memref<10000x128xf32, #tpu.memory_space<hbm>>
      tpu.wait_indirect_dma semaphore(%arg11 : memref<!tpu.dma_semaphore, #tpu.memory_space<semaphore_mem>>) src(%dma_wait3A_56 : memref<10000x128xf32, #tpu.memory_space<hbm>>) dst(%arg7 : memref<128x128xf32, #tpu.memory_space<vmem>>)
      "tpu.region"() ({
        %run_scoped3A = tpu.sem_alloc : memref<!tpu.dma_semaphore, #tpu.memory_space<semaphore_mem>>
        %dma_start3A_57 = arith.constant 0 : i32
        %dma_start3A_58 = arith.constant 0 : i32
        %dma_start3A_59 = tpu.memref_slice %arg10[%dma_start3A_57, %dma_start3A_58] : memref<10240x128xf32, #tpu.memory_space<vmem_shared>> -> memref<10240x128xf32, #tpu.memory_space<vmem_shared>>
        tpu.enqueue_indirect_dma source(%arg7 : memref<128x128xf32, #tpu.memory_space<vmem>>) target(%dma_start3A_59 : memref<10240x128xf32, #tpu.memory_space<vmem_shared>>) offsets(%arg6 : memref<128xi32, #tpu.memory_space<vmem>>) semaphore(%run_scoped3A : memref<!tpu.dma_semaphore, #tpu.memory_space<semaphore_mem>>) {add = true}
        %dma_wait3A_60 = arith.constant 0 : i32
        %dma_wait3A_61 = arith.constant 0 : i32
        %dma_wait3A_62 = tpu.memref_slice %arg10[%dma_wait3A_60, %dma_wait3A_61] : memref<10240x128xf32, #tpu.memory_space<vmem_shared>> -> memref<10240x128xf32, #tpu.memory_space<vmem_shared>>
        tpu.wait_indirect_dma semaphore(%run_scoped3A : memref<!tpu.dma_semaphore, #tpu.memory_space<semaphore_mem>>) src(%arg7 : memref<128x128xf32, #tpu.memory_space<vmem>>) dst(%dma_wait3A_62 : memref<10240x128xf32, #tpu.memory_space<vmem_shared>>)
        tpu.yield
      }) : () -> ()
    }
    %scan3A_26 = arith.constant 78 : i32
    %add3A_27 = arith.constant 9984 : i32
    %add3A_28 = arith.addi %mul3A_20, %add3A_27 : i32
    %add3A_29 = arith.constant 320000 : i32
    %add3A_30 = arith.addi %add3A_29, %add3A_28 : i32
    "tpu.region"() ({
      %run_scoped3A = tpu.sem_alloc : memref<!tpu.dma_semaphore, #tpu.memory_space<semaphore_mem>>
      %dma_start3A_40 = tpu.memref_slice %arg3[%add3A_30] : memref<640000xi32, #tpu.memory_space<hbm>> -> memref<16xi32, #tpu.memory_space<hbm>>
      %dma_start3A_41 = tpu.memref_slice %arg3[%add3A_30] : memref<640000xi32, #tpu.memory_space<hbm>> -> memref<16xi32, #tpu.memory_space<hbm>>
      tpu.enqueue_dma source(%dma_start3A_41 : memref<16xi32, #tpu.memory_space<hbm>>) target(%arg8 : memref<16xi32, #tpu.memory_space<vmem>>) target_semaphore(%run_scoped3A : memref<!tpu.dma_semaphore, #tpu.memory_space<semaphore_mem>>)
      %dma_wait3A_42 = tpu.memref_slice %arg3[%add3A_30] : memref<640000xi32, #tpu.memory_space<hbm>> -> memref<16xi32, #tpu.memory_space<hbm>>
      %dma_wait3A_43 = tpu.memref_slice %arg3[%add3A_30] : memref<640000xi32, #tpu.memory_space<hbm>> -> memref<16xi32, #tpu.memory_space<hbm>>
      tpu.wait_dma2 semaphore(%run_scoped3A : memref<!tpu.dma_semaphore, #tpu.memory_space<semaphore_mem>>) src(%dma_wait3A_43 : memref<16xi32, #tpu.memory_space<hbm>>) dst(%arg8 : memref<16xi32, #tpu.memory_space<vmem>>)
      tpu.yield
    }) : () -> ()
    %dma_start3A = arith.constant 9984 : i32
    %dma_start3A_31 = tpu.memref_slice %arg5[%dma_start3A] : memref<10000xi32, #tpu.memory_space<vmem>> -> memref<16xi32, #tpu.memory_space<vmem>>
    %dma_start3A_32 = arith.constant 0 : i32
    %dma_start3A_33 = arith.constant 0 : i32
    %dma_start3A_34 = tpu.memref_slice %arg2[%dma_start3A_32, %dma_start3A_33] : memref<10000x128xf32, #tpu.memory_space<hbm>> -> memref<10000x128xf32, #tpu.memory_space<hbm>>
    tpu.enqueue_indirect_dma source(%dma_start3A_34 : memref<10000x128xf32, #tpu.memory_space<hbm>>) target(%arg9 : memref<16x128xf32, #tpu.memory_space<vmem>>) offsets(%dma_start3A_31 : memref<16xi32, #tpu.memory_space<vmem>>) semaphore(%arg11 : memref<!tpu.dma_semaphore, #tpu.memory_space<semaphore_mem>>)
    %dma_wait3A = arith.constant 9984 : i32
    %dma_wait3A_35 = tpu.memref_slice %arg5[%dma_wait3A] : memref<10000xi32, #tpu.memory_space<vmem>> -> memref<16xi32, #tpu.memory_space<vmem>>
    %dma_wait3A_36 = arith.constant 0 : i32
    %dma_wait3A_37 = arith.constant 0 : i32
    %dma_wait3A_38 = tpu.memref_slice %arg2[%dma_wait3A_36, %dma_wait3A_37] : memref<10000x128xf32, #tpu.memory_space<hbm>> -> memref<10000x128xf32, #tpu.memory_space<hbm>>
    tpu.wait_indirect_dma semaphore(%arg11 : memref<!tpu.dma_semaphore, #tpu.memory_space<semaphore_mem>>) src(%dma_wait3A_38 : memref<10000x128xf32, #tpu.memory_space<hbm>>) dst(%arg9 : memref<16x128xf32, #tpu.memory_space<vmem>>)
    "tpu.region"() ({
      %run_scoped3A = tpu.sem_alloc : memref<!tpu.dma_semaphore, #tpu.memory_space<semaphore_mem>>
      %dma_start3A_40 = arith.constant 0 : i32
      %dma_start3A_41 = arith.constant 0 : i32
      %dma_start3A_42 = tpu.memref_slice %arg10[%dma_start3A_40, %dma_start3A_41] : memref<10240x128xf32, #tpu.memory_space<vmem_shared>> -> memref<10240x128xf32, #tpu.memory_space<vmem_shared>>
      tpu.enqueue_indirect_dma source(%arg9 : memref<16x128xf32, #tpu.memory_space<vmem>>) target(%dma_start3A_42 : memref<10240x128xf32, #tpu.memory_space<vmem_shared>>) offsets(%arg8 : memref<16xi32, #tpu.memory_space<vmem>>) semaphore(%run_scoped3A : memref<!tpu.dma_semaphore, #tpu.memory_space<semaphore_mem>>) {add = true}
      %dma_wait3A_43 = arith.constant 0 : i32
      %dma_wait3A_44 = arith.constant 0 : i32
      %dma_wait3A_45 = tpu.memref_slice %arg10[%dma_wait3A_43, %dma_wait3A_44] : memref<10240x128xf32, #tpu.memory_space<vmem_shared>> -> memref<10240x128xf32, #tpu.memory_space<vmem_shared>>
      tpu.wait_indirect_dma semaphore(%run_scoped3A : memref<!tpu.dma_semaphore, #tpu.memory_space<semaphore_mem>>) src(%arg9 : memref<16x128xf32, #tpu.memory_space<vmem>>) dst(%dma_wait3A_45 : memref<10240x128xf32, #tpu.memory_space<vmem_shared>>)
      tpu.yield
    }) : () -> ()
    %barrier3A_39 = arith.constant 0 : index
    tpu.barrier barrier_id(%barrier3A_39)
    "tpu.region"() ({
      %run_scoped3A = tpu.sem_alloc : memref<!tpu.dma_semaphore, #tpu.memory_space<semaphore_mem>>
      %dma_start3A_40 = arith.constant 0 : i32
      %dma_start3A_41 = tpu.memref_slice %arg4[%arg0, %mul3A_0, %dma_start3A_40] : memref<2x10240x128xf32, #tpu.memory_space<hbm>> -> memref<1x640x128xf32, #tpu.memory_space<hbm>>
      %dma_start3A_42 = tpu.memref_squeeze %dma_start3A_41 : memref<1x640x128xf32, #tpu.memory_space<hbm>> -> memref<640x128xf32, #tpu.memory_space<hbm>>
      %dma_start3A_43 = arith.constant 0 : i32
      %dma_start3A_44 = tpu.memref_slice %arg10[%mul3A_0, %dma_start3A_43] : memref<10240x128xf32, #tpu.memory_space<vmem_shared>> -> memref<640x128xf32, #tpu.memory_space<vmem_shared>>
      tpu.enqueue_dma source(%dma_start3A_44 : memref<640x128xf32, #tpu.memory_space<vmem_shared>>) target(%dma_start3A_42 : memref<640x128xf32, #tpu.memory_space<hbm>>) target_semaphore(%run_scoped3A : memref<!tpu.dma_semaphore, #tpu.memory_space<semaphore_mem>>)
      %dma_wait3A_45 = arith.constant 0 : i32
      %dma_wait3A_46 = tpu.memref_slice %arg4[%arg0, %mul3A_0, %dma_wait3A_45] : memref<2x10240x128xf32, #tpu.memory_space<hbm>> -> memref<1x640x128xf32, #tpu.memory_space<hbm>>
      %dma_wait3A_47 = tpu.memref_squeeze %dma_wait3A_46 : memref<1x640x128xf32, #tpu.memory_space<hbm>> -> memref<640x128xf32, #tpu.memory_space<hbm>>
      %dma_wait3A_48 = arith.constant 0 : i32
      %dma_wait3A_49 = tpu.memref_slice %arg10[%mul3A_0, %dma_wait3A_48] : memref<10240x128xf32, #tpu.memory_space<vmem_shared>> -> memref<640x128xf32, #tpu.memory_space<vmem_shared>>
      tpu.wait_dma2 semaphore(%run_scoped3A : memref<!tpu.dma_semaphore, #tpu.memory_space<semaphore_mem>>) src(%dma_wait3A_49 : memref<640x128xf32, #tpu.memory_space<vmem_shared>>) dst(%dma_wait3A_47 : memref<640x128xf32, #tpu.memory_space<hbm>>)
      tpu.yield
    }) : () -> ()
    return
  }
}

module attributes {stable_mosaic.version = 14 : i64} {
  func.func @_tc_body(%arg0: i32, %arg1: memref<2000x128xf32, #tpu.memory_space<vmem>>, %arg2: memref<2x2000x128xf32, #tpu.memory_space<vmem>>, %arg3: memref<128x128xf32, #tpu.memory_space<vmem>>, %arg4: memref<1x128xf32, #tpu.memory_space<vmem>>, %arg5: memref<1x128xf32, #tpu.memory_space<vmem>>, %arg6: memref<1x128xf32, #tpu.memory_space<vmem>>, %arg7: memref<1x128xf32, #tpu.memory_space<vmem>>, %arg8: memref<128x128xf32, #tpu.memory_space<vmem>>, %arg9: memref<1x128xf32, #tpu.memory_space<vmem>>, %arg10: memref<1x128xf32, #tpu.memory_space<vmem>>, %arg11: memref<2000x128xf32, #tpu.memory_space<vmem>>, %arg12: memref<10000x128xf32, #tpu.memory_space<vmem>>, %arg13: memref<1x128xf32, #tpu.memory_space<vmem>>, %arg14: memref<1x128xf32, #tpu.memory_space<vmem>>) attributes {dimension_semantics = [#tpu.dimension_semantics<arbitrary>], iteration_bounds = array<i64: 10>, scalar_prefetch = 0 : i64, scratch_operands = 3 : i64, tpu.core_type = #tpu.core_type<tc>, window_params = [{transform_indices = @transform_0, window_bounds = array<i64: 2000, 128>}, {transform_indices = @transform_1, window_bounds = array<i64: 2, 2000, 128>}, {pipeline_mode = #tpu.pipeline_mode<synchronous>, transform_indices = @transform_2, window_bounds = array<i64: 128, 128>}, {pipeline_mode = #tpu.pipeline_mode<synchronous>, transform_indices = @transform_3, window_bounds = array<i64: 1, 128>}, {pipeline_mode = #tpu.pipeline_mode<synchronous>, transform_indices = @transform_4, window_bounds = array<i64: 1, 128>}, {pipeline_mode = #tpu.pipeline_mode<synchronous>, transform_indices = @transform_5, window_bounds = array<i64: 1, 128>}, {pipeline_mode = #tpu.pipeline_mode<synchronous>, transform_indices = @transform_6, window_bounds = array<i64: 1, 128>}, {pipeline_mode = #tpu.pipeline_mode<synchronous>, transform_indices = @transform_7, window_bounds = array<i64: 128, 128>}, {pipeline_mode = #tpu.pipeline_mode<synchronous>, transform_indices = @transform_8, window_bounds = array<i64: 1, 128>}, {pipeline_mode = #tpu.pipeline_mode<synchronous>, transform_indices = @transform_9, window_bounds = array<i64: 1, 128>}, {transform_indices = @transform_10, window_bounds = array<i64: 2000, 128>}]} {
    %lt3A = arith.constant 5 : i32
    %lt3A_0 = arith.cmpi slt, %arg0, %lt3A : i32
    %convert_element_type3A = arith.extui %lt3A_0 : i1 to i32
    %cond3A = arith.constant 0 : i32
    %cond3A_1 = arith.cmpi ne, %convert_element_type3A, %cond3A : i32
    scf.if %cond3A_1 {
      %get3A = arith.constant 0 : index
      %get3A_6 = arith.constant 0 : index
      %get3A_7 = vector.load %arg3[%get3A, %get3A_6] : memref<128x128xf32, #tpu.memory_space<vmem>>, vector<128x128xf32>
      %get3A_8 = arith.constant 0 : index
      %get3A_9 = arith.constant 0 : index
      %get3A_10 = vector.load %arg5[%get3A_8, %get3A_9] : memref<1x128xf32, #tpu.memory_space<vmem>>, vector<1x128xf32>
      %dot_general3A = arith.constant dense<0.000000e+00> : vector<1x128xf32>
      %dot_general3A_11 = tpu.matmul %get3A_10, %get3A_7, %dot_general3A {dimension_numbers = #tpu.dot_dimension_numbers<[1], [0], [0], [1], [0, 0, 1, 1], [], []>, precision = #tpu.contract_precision<fp32>, transpose_lhs_hint = false} : vector<1x128xf32>, vector<128x128xf32>, vector<1x128xf32> -> vector<1x128xf32>
      %mul3A = arith.mulf %dot_general3A_11, %dot_general3A_11 : vector<1x128xf32>
      %reduce_sum3A = vector.shape_cast %mul3A : vector<1x128xf32> to vector<1x1x128xf32>
      %reduce_sum3A_12 = arith.constant dense<0.000000e+00> : vector<1xf32>
      %reduce_sum3A_13 = vector.multi_reduction <add>, %reduce_sum3A, %reduce_sum3A_12 [1, 2] : vector<1x1x128xf32> to vector<1xf32>
      %reduce_sum3A_14 = vector.shape_cast %reduce_sum3A_13 : vector<1xf32> to vector<1x1x1xf32>
      %reduce_sum3A_15 = vector.extract %reduce_sum3A_14[0, 0, 0] : f32 from vector<1x1x1xf32>
      %sqrt3A = math.sqrt %reduce_sum3A_15 : f32
      %add3A = arith.constant 9.99999996E-13 : f32
      %add3A_16 = arith.addf %sqrt3A, %add3A : f32
      %div3A = vector.broadcast %add3A_16 : f32 to vector<1x128xf32>
      %div3A_17 = arith.divf %dot_general3A_11, %div3A : vector<1x128xf32>
      %dot_general3A_18 = arith.constant dense<0.000000e+00> : vector<1x128xf32>
      %dot_general3A_19 = tpu.matmul %div3A_17, %get3A_7, %dot_general3A_18 {dimension_numbers = #tpu.dot_dimension_numbers<[1], [1], [0], [0], [0, 0, 1, 0], [], []>, precision = #tpu.contract_precision<fp32>, transpose_lhs_hint = false} : vector<1x128xf32>, vector<128x128xf32>, vector<1x128xf32> -> vector<1x128xf32>
      %mul3A_20 = arith.mulf %dot_general3A_19, %dot_general3A_19 : vector<1x128xf32>
      %reduce_sum3A_21 = vector.shape_cast %mul3A_20 : vector<1x128xf32> to vector<1x1x128xf32>
      %reduce_sum3A_22 = arith.constant dense<0.000000e+00> : vector<1xf32>
      %reduce_sum3A_23 = vector.multi_reduction <add>, %reduce_sum3A_21, %reduce_sum3A_22 [1, 2] : vector<1x1x128xf32> to vector<1xf32>
      %reduce_sum3A_24 = vector.shape_cast %reduce_sum3A_23 : vector<1xf32> to vector<1x1x1xf32>
      %reduce_sum3A_25 = vector.extract %reduce_sum3A_24[0, 0, 0] : f32 from vector<1x1x1xf32>
      %sqrt3A_26 = math.sqrt %reduce_sum3A_25 : f32
      %add3A_27 = arith.constant 9.99999996E-13 : f32
      %add3A_28 = arith.addf %sqrt3A_26, %add3A_27 : f32
      %div3A_29 = vector.broadcast %add3A_28 : f32 to vector<1x128xf32>
      %div3A_30 = arith.divf %dot_general3A_19, %div3A_29 : vector<1x128xf32>
      %mul3A_31 = arith.mulf %div3A_30, %dot_general3A_19 : vector<1x128xf32>
      %reduce_sum3A_32 = vector.shape_cast %mul3A_31 : vector<1x128xf32> to vector<1x1x128xf32>
      %reduce_sum3A_33 = arith.constant dense<0.000000e+00> : vector<1xf32>
      %reduce_sum3A_34 = vector.multi_reduction <add>, %reduce_sum3A_32, %reduce_sum3A_33 [1, 2] : vector<1x1x128xf32> to vector<1xf32>
      %reduce_sum3A_35 = vector.shape_cast %reduce_sum3A_34 : vector<1xf32> to vector<1x1x1xf32>
      %reduce_sum3A_36 = vector.extract %reduce_sum3A_35[0, 0, 0] : f32 from vector<1x1x1xf32>
      %div3A_37 = arith.constant 1.000000e+00 : f32
      %div3A_38 = arith.divf %div3A_37, %reduce_sum3A_36 : f32
      %mul3A_39 = vector.broadcast %div3A_38 : f32 to vector<128x128xf32>
      %mul3A_40 = arith.mulf %get3A_7, %mul3A_39 : vector<128x128xf32>
      %get3A_41 = arith.constant 0 : index
      %get3A_42 = arith.constant 0 : index
      %get3A_43 = vector.load %arg1[%get3A_41, %get3A_42] : memref<2000x128xf32, #tpu.memory_space<vmem>>, vector<2000x128xf32>
      %get3A_44 = arith.constant 0 : index
      %get3A_45 = arith.constant 0 : index
      %get3A_46 = arith.constant 0 : index
      %get3A_47 = vector.load %arg2[%get3A_44, %get3A_45, %get3A_46] : memref<2x2000x128xf32, #tpu.memory_space<vmem>>, vector<1x2000x128xf32>
      %get3A_48 = vector.shape_cast %get3A_47 : vector<1x2000x128xf32> to vector<2000x128xf32>
      %add3A_49 = arith.addf %get3A_43, %get3A_48 : vector<2000x128xf32>
      %get3A_50 = arith.constant 1 : index
      %get3A_51 = arith.constant 0 : index
      %get3A_52 = arith.constant 0 : index
      %get3A_53 = vector.load %arg2[%get3A_50, %get3A_51, %get3A_52] : memref<2x2000x128xf32, #tpu.memory_space<vmem>>, vector<1x2000x128xf32>
      %get3A_54 = vector.shape_cast %get3A_53 : vector<1x2000x128xf32> to vector<2000x128xf32>
      %add3A_55 = arith.addf %add3A_49, %get3A_54 : vector<2000x128xf32>
      %dot_general3A_56 = arith.constant dense<0.000000e+00> : vector<2000x128xf32>
      %dot_general3A_57 = tpu.matmul %add3A_55, %mul3A_40, %dot_general3A_56 {dimension_numbers = #tpu.dot_dimension_numbers<[1], [1], [0], [0], [0, 0, 1, 0], [], []>, precision = #tpu.contract_precision<fp32>, transpose_lhs_hint = false} : vector<2000x128xf32>, vector<128x128xf32>, vector<2000x128xf32> -> vector<2000x128xf32>
      %get3A_58 = arith.constant 0 : index
      %get3A_59 = arith.constant 0 : index
      %get3A_60 = vector.load %arg4[%get3A_58, %get3A_59] : memref<1x128xf32, #tpu.memory_space<vmem>>, vector<1x128xf32>
      %add3A_61 = vector.broadcast %get3A_60 : vector<1x128xf32> to vector<2000x128xf32>
      %add3A_62 = arith.addf %dot_general3A_57, %add3A_61 : vector<2000x128xf32>
      %max3A = arith.constant 0.000000e+00 : f32
      %max3A_63 = vector.broadcast %max3A : f32 to vector<2000x128xf32>
      %max3A_64 = arith.maximumf %add3A_62, %max3A_63 : vector<2000x128xf32>
      %mul3A_65 = arith.constant 2000 : i32
      %mul3A_66 = arith.muli %arg0, %mul3A_65 : i32
      %swap3A = arith.index_cast %mul3A_66 : i32 to index
      %swap3A_67 = arith.constant 0 : index
      %swap3A_68 = vector.load %arg12[%swap3A, %swap3A_67] : memref<10000x128xf32, #tpu.memory_space<vmem>>, vector<2000x128xf32>
      tpu.vector_store %arg12[%swap3A, %swap3A_67], %max3A_64 {strides = array<i32>} : memref<10000x128xf32, #tpu.memory_space<vmem>>, vector<2000x128xf32>,
      %eq3A = arith.constant 0 : i32
      %eq3A_69 = arith.cmpi eq, %arg0, %eq3A : i32
      %convert_element_type3A_70 = arith.extui %eq3A_69 : i1 to i32
      %cond3A_71 = arith.constant 0 : i32
      %cond3A_72 = arith.cmpi ne, %convert_element_type3A_70, %cond3A_71 : i32
      scf.if %cond3A_72 {
        %broadcast_in_dim3A_93 = arith.constant 0.000000e+00 : f32
        %broadcast_in_dim3A_94 = vector.broadcast %broadcast_in_dim3A_93 : f32 to vector<1x128xf32>
        %swap3A_95 = arith.constant 0 : index
        %swap3A_96 = arith.constant 0 : index
        %swap3A_97 = vector.load %arg13[%swap3A_95, %swap3A_96] : memref<1x128xf32, #tpu.memory_space<vmem>>, vector<1x128xf32>
        tpu.vector_store %arg13[%swap3A_95, %swap3A_96], %broadcast_in_dim3A_94 {strides = array<i32>} : memref<1x128xf32, #tpu.memory_space<vmem>>, vector<1x128xf32>,
        %broadcast_in_dim3A_98 = arith.constant 0.000000e+00 : f32
        %broadcast_in_dim3A_99 = vector.broadcast %broadcast_in_dim3A_98 : f32 to vector<1x128xf32>
        %swap3A_100 = arith.constant 0 : index
        %swap3A_101 = arith.constant 0 : index
        %swap3A_102 = vector.load %arg14[%swap3A_100, %swap3A_101] : memref<1x128xf32, #tpu.memory_space<vmem>>, vector<1x128xf32>
        tpu.vector_store %arg14[%swap3A_100, %swap3A_101], %broadcast_in_dim3A_99 {strides = array<i32>} : memref<1x128xf32, #tpu.memory_space<vmem>>, vector<1x128xf32>,
      } else {
      }
      %get3A_73 = arith.constant 0 : index
      %get3A_74 = arith.constant 0 : index
      %get3A_75 = vector.load %arg13[%get3A_73, %get3A_74] : memref<1x128xf32, #tpu.memory_space<vmem>>, vector<1x128xf32>
      %reduce_sum3A_76 = arith.constant dense<0.000000e+00> : vector<128xf32>
      %reduce_sum3A_77 = vector.multi_reduction <add>, %max3A_64, %reduce_sum3A_76 [0] : vector<2000x128xf32> to vector<128xf32>
      %broadcast_in_dim3A = vector.shape_cast %reduce_sum3A_77 : vector<128xf32> to vector<1x128xf32>
      %add3A_78 = arith.addf %get3A_75, %broadcast_in_dim3A : vector<1x128xf32>
      %swap3A_79 = arith.constant 0 : index
      %swap3A_80 = arith.constant 0 : index
      %swap3A_81 = vector.load %arg13[%swap3A_79, %swap3A_80] : memref<1x128xf32, #tpu.memory_space<vmem>>, vector<1x128xf32>
      tpu.vector_store %arg13[%swap3A_79, %swap3A_80], %add3A_78 {strides = array<i32>} : memref<1x128xf32, #tpu.memory_space<vmem>>, vector<1x128xf32>,
      %get3A_82 = arith.constant 0 : index
      %get3A_83 = arith.constant 0 : index
      %get3A_84 = vector.load %arg14[%get3A_82, %get3A_83] : memref<1x128xf32, #tpu.memory_space<vmem>>, vector<1x128xf32>
      %mul3A_85 = arith.mulf %max3A_64, %max3A_64 : vector<2000x128xf32>
      %reduce_sum3A_86 = arith.constant dense<0.000000e+00> : vector<128xf32>
      %reduce_sum3A_87 = vector.multi_reduction <add>, %mul3A_85, %reduce_sum3A_86 [0] : vector<2000x128xf32> to vector<128xf32>
      %broadcast_in_dim3A_88 = vector.shape_cast %reduce_sum3A_87 : vector<128xf32> to vector<1x128xf32>
      %add3A_89 = arith.addf %get3A_84, %broadcast_in_dim3A_88 : vector<1x128xf32>
      %swap3A_90 = arith.constant 0 : index
      %swap3A_91 = arith.constant 0 : index
      %swap3A_92 = vector.load %arg14[%swap3A_90, %swap3A_91] : memref<1x128xf32, #tpu.memory_space<vmem>>, vector<1x128xf32>
      tpu.vector_store %arg14[%swap3A_90, %swap3A_91], %add3A_89 {strides = array<i32>} : memref<1x128xf32, #tpu.memory_space<vmem>>, vector<1x128xf32>,
    } else {
    }
    %ge3A = arith.constant 5 : i32
    %ge3A_2 = arith.cmpi sge, %arg0, %ge3A : i32
    %convert_element_type3A_3 = arith.extui %ge3A_2 : i1 to i32
    %cond3A_4 = arith.constant 0 : i32
    %cond3A_5 = arith.cmpi ne, %convert_element_type3A_3, %cond3A_4 : i32
    scf.if %cond3A_5 {
      %sub3A = arith.constant 5 : i32
      %sub3A_6 = arith.subi %arg0, %sub3A : i32
      %get3A = arith.constant 0 : index
      %get3A_7 = arith.constant 0 : index
      %get3A_8 = vector.load %arg8[%get3A, %get3A_7] : memref<128x128xf32, #tpu.memory_space<vmem>>, vector<128x128xf32>
      %get3A_9 = arith.constant 0 : index
      %get3A_10 = arith.constant 0 : index
      %get3A_11 = vector.load %arg10[%get3A_9, %get3A_10] : memref<1x128xf32, #tpu.memory_space<vmem>>, vector<1x128xf32>
      %dot_general3A = arith.constant dense<0.000000e+00> : vector<1x128xf32>
      %dot_general3A_12 = tpu.matmul %get3A_11, %get3A_8, %dot_general3A {dimension_numbers = #tpu.dot_dimension_numbers<[1], [0], [0], [1], [0, 0, 1, 1], [], []>, precision = #tpu.contract_precision<fp32>, transpose_lhs_hint = false} : vector<1x128xf32>, vector<128x128xf32>, vector<1x128xf32> -> vector<1x128xf32>
      %mul3A = arith.mulf %dot_general3A_12, %dot_general3A_12 : vector<1x128xf32>
      %reduce_sum3A = vector.shape_cast %mul3A : vector<1x128xf32> to vector<1x1x128xf32>
      %reduce_sum3A_13 = arith.constant dense<0.000000e+00> : vector<1xf32>
      %reduce_sum3A_14 = vector.multi_reduction <add>, %reduce_sum3A, %reduce_sum3A_13 [1, 2] : vector<1x1x128xf32> to vector<1xf32>
      %reduce_sum3A_15 = vector.shape_cast %reduce_sum3A_14 : vector<1xf32> to vector<1x1x1xf32>
      %reduce_sum3A_16 = vector.extract %reduce_sum3A_15[0, 0, 0] : f32 from vector<1x1x1xf32>
      %sqrt3A = math.sqrt %reduce_sum3A_16 : f32
      %add3A = arith.constant 9.99999996E-13 : f32
      %add3A_17 = arith.addf %sqrt3A, %add3A : f32
      %div3A = vector.broadcast %add3A_17 : f32 to vector<1x128xf32>
      %div3A_18 = arith.divf %dot_general3A_12, %div3A : vector<1x128xf32>
      %dot_general3A_19 = arith.constant dense<0.000000e+00> : vector<1x128xf32>
      %dot_general3A_20 = tpu.matmul %div3A_18, %get3A_8, %dot_general3A_19 {dimension_numbers = #tpu.dot_dimension_numbers<[1], [1], [0], [0], [0, 0, 1, 0], [], []>, precision = #tpu.contract_precision<fp32>, transpose_lhs_hint = false} : vector<1x128xf32>, vector<128x128xf32>, vector<1x128xf32> -> vector<1x128xf32>
      %mul3A_21 = arith.mulf %dot_general3A_20, %dot_general3A_20 : vector<1x128xf32>
      %reduce_sum3A_22 = vector.shape_cast %mul3A_21 : vector<1x128xf32> to vector<1x1x128xf32>
      %reduce_sum3A_23 = arith.constant dense<0.000000e+00> : vector<1xf32>
      %reduce_sum3A_24 = vector.multi_reduction <add>, %reduce_sum3A_22, %reduce_sum3A_23 [1, 2] : vector<1x1x128xf32> to vector<1xf32>
      %reduce_sum3A_25 = vector.shape_cast %reduce_sum3A_24 : vector<1xf32> to vector<1x1x1xf32>
      %reduce_sum3A_26 = vector.extract %reduce_sum3A_25[0, 0, 0] : f32 from vector<1x1x1xf32>
      %sqrt3A_27 = math.sqrt %reduce_sum3A_26 : f32
      %add3A_28 = arith.constant 9.99999996E-13 : f32
      %add3A_29 = arith.addf %sqrt3A_27, %add3A_28 : f32
      %div3A_30 = vector.broadcast %add3A_29 : f32 to vector<1x128xf32>
      %div3A_31 = arith.divf %dot_general3A_20, %div3A_30 : vector<1x128xf32>
      %mul3A_32 = arith.mulf %div3A_31, %dot_general3A_20 : vector<1x128xf32>
      %reduce_sum3A_33 = vector.shape_cast %mul3A_32 : vector<1x128xf32> to vector<1x1x128xf32>
      %reduce_sum3A_34 = arith.constant dense<0.000000e+00> : vector<1xf32>
      %reduce_sum3A_35 = vector.multi_reduction <add>, %reduce_sum3A_33, %reduce_sum3A_34 [1, 2] : vector<1x1x128xf32> to vector<1xf32>
      %reduce_sum3A_36 = vector.shape_cast %reduce_sum3A_35 : vector<1xf32> to vector<1x1x1xf32>
      %reduce_sum3A_37 = vector.extract %reduce_sum3A_36[0, 0, 0] : f32 from vector<1x1x1xf32>
      %div3A_38 = arith.constant 1.000000e+00 : f32
      %div3A_39 = arith.divf %div3A_38, %reduce_sum3A_37 : f32
      %mul3A_40 = vector.broadcast %div3A_39 : f32 to vector<128x128xf32>
      %mul3A_41 = arith.mulf %get3A_8, %mul3A_40 : vector<128x128xf32>
      %get3A_42 = arith.constant 0 : index
      %get3A_43 = arith.constant 0 : index
      %get3A_44 = vector.load %arg13[%get3A_42, %get3A_43] : memref<1x128xf32, #tpu.memory_space<vmem>>, vector<1x128xf32>
      %mul3A_45 = arith.constant 9.99999974E-5 : f32
      %mul3A_46 = vector.broadcast %mul3A_45 : f32 to vector<1x128xf32>
      %mul3A_47 = arith.mulf %get3A_44, %mul3A_46 : vector<1x128xf32>
      %get3A_48 = arith.constant 0 : index
      %get3A_49 = arith.constant 0 : index
      %get3A_50 = vector.load %arg14[%get3A_48, %get3A_49] : memref<1x128xf32, #tpu.memory_space<vmem>>, vector<1x128xf32>
      %mul3A_51 = arith.constant 9.99999974E-5 : f32
      %mul3A_52 = vector.broadcast %mul3A_51 : f32 to vector<1x128xf32>
      %mul3A_53 = arith.mulf %get3A_50, %mul3A_52 : vector<1x128xf32>
      %mul3A_54 = arith.mulf %mul3A_47, %mul3A_47 : vector<1x128xf32>
      %sub3A_55 = arith.subf %mul3A_53, %mul3A_54 : vector<1x128xf32>
      %get3A_56 = arith.constant 0 : index
      %get3A_57 = arith.constant 0 : index
      %get3A_58 = vector.load %arg6[%get3A_56, %get3A_57] : memref<1x128xf32, #tpu.memory_space<vmem>>, vector<1x128xf32>
      %add3A_59 = arith.constant 9.99999974E-6 : f32
      %add3A_60 = vector.broadcast %add3A_59 : f32 to vector<1x128xf32>
      %add3A_61 = arith.addf %sub3A_55, %add3A_60 : vector<1x128xf32>
      %rsqrt3A = math.rsqrt %add3A_61 : vector<1x128xf32>
      %mul3A_62 = arith.mulf %get3A_58, %rsqrt3A : vector<1x128xf32>
      %mul3A_63 = vector.broadcast %mul3A_62 : vector<1x128xf32> to vector<128x128xf32>
      %mul3A_64 = arith.mulf %mul3A_41, %mul3A_63 : vector<128x128xf32>
      %get3A_65 = arith.constant 0 : index
      %get3A_66 = arith.constant 0 : index
      %get3A_67 = vector.load %arg7[%get3A_65, %get3A_66] : memref<1x128xf32, #tpu.memory_space<vmem>>, vector<1x128xf32>
      %mul3A_68 = arith.mulf %mul3A_47, %mul3A_62 : vector<1x128xf32>
      %sub3A_69 = arith.subf %get3A_67, %mul3A_68 : vector<1x128xf32>
      %dot_general3A_70 = arith.constant dense<0.000000e+00> : vector<1x128xf32>
      %dot_general3A_71 = tpu.matmul %sub3A_69, %mul3A_41, %dot_general3A_70 {dimension_numbers = #tpu.dot_dimension_numbers<[1], [1], [0], [0], [0, 0, 1, 0], [], []>, precision = #tpu.contract_precision<fp32>, transpose_lhs_hint = false} : vector<1x128xf32>, vector<128x128xf32>, vector<1x128xf32> -> vector<1x128xf32>
      %get3A_72 = arith.constant 0 : index
      %get3A_73 = arith.constant 0 : index
      %get3A_74 = vector.load %arg9[%get3A_72, %get3A_73] : memref<1x128xf32, #tpu.memory_space<vmem>>, vector<1x128xf32>
      %add3A_75 = arith.addf %dot_general3A_71, %get3A_74 : vector<1x128xf32>
      %mul3A_76 = arith.constant 2000 : i32
      %mul3A_77 = arith.muli %sub3A_6, %mul3A_76 : i32
      %get3A_78 = arith.index_cast %mul3A_77 : i32 to index
      %get3A_79 = arith.constant 0 : index
      %get3A_80 = vector.load %arg12[%get3A_78, %get3A_79] : memref<10000x128xf32, #tpu.memory_space<vmem>>, vector<2000x128xf32>
      %dot_general3A_81 = arith.constant dense<0.000000e+00> : vector<2000x128xf32>
      %dot_general3A_82 = tpu.matmul %get3A_80, %mul3A_64, %dot_general3A_81 {dimension_numbers = #tpu.dot_dimension_numbers<[1], [1], [0], [0], [0, 0, 1, 0], [], []>, precision = #tpu.contract_precision<fp32>, transpose_lhs_hint = false} : vector<2000x128xf32>, vector<128x128xf32>, vector<2000x128xf32> -> vector<2000x128xf32>
      %add3A_83 = vector.broadcast %add3A_75 : vector<1x128xf32> to vector<2000x128xf32>
      %add3A_84 = arith.addf %dot_general3A_82, %add3A_83 : vector<2000x128xf32>
      %swap3A = arith.constant 0 : index
      %swap3A_85 = arith.constant 0 : index
      %swap3A_86 = vector.load %arg11[%swap3A, %swap3A_85] : memref<2000x128xf32, #tpu.memory_space<vmem>>, vector<2000x128xf32>
      tpu.vector_store %arg11[%swap3A, %swap3A_85], %add3A_84 {strides = array<i32>} : memref<2000x128xf32, #tpu.memory_space<vmem>>, vector<2000x128xf32>,
    } else {
    }
    return
  }
  func.func @transform_0(%arg0: i32) -> (i32, i32) {
    %lt3A = arith.constant 5 : i32
    %lt3A_0 = arith.cmpi slt, %arg0, %lt3A : i32
    %jit3A = arith.constant 4 : i32
    %select_n3A = arith.select %lt3A_0, %arg0, %jit3A : i32
    %c0_i32 = arith.constant 0 : i32
    %c0_i32_1 = arith.constant 0 : i32
    return %select_n3A, %c0_i32 : i32, i32
  }
  func.func @transform_1(%arg0: i32) -> (i32, i32, i32) {
    %lt3A = arith.constant 5 : i32
    %lt3A_0 = arith.cmpi slt, %arg0, %lt3A : i32
    %jit3A = arith.constant 4 : i32
    %select_n3A = arith.select %lt3A_0, %arg0, %jit3A : i32
    %c0_i32 = arith.constant 0 : i32
    %c0_i32_1 = arith.constant 0 : i32
    %c0_i32_2 = arith.constant 0 : i32
    return %c0_i32, %select_n3A, %c0_i32_1 : i32, i32, i32
  }
  func.func @transform_2(%arg0: i32) -> (i32, i32) {
    %c0_i32 = arith.constant 0 : i32
    %c0_i32_0 = arith.constant 0 : i32
    %c0_i32_1 = arith.constant 0 : i32
    return %c0_i32, %c0_i32_0 : i32, i32
  }
  func.func @transform_3(%arg0: i32) -> (i32, i32) {
    %c0_i32 = arith.constant 0 : i32
    %c0_i32_0 = arith.constant 0 : i32
    %c0_i32_1 = arith.constant 0 : i32
    return %c0_i32, %c0_i32_0 : i32, i32
  }
  func.func @transform_4(%arg0: i32) -> (i32, i32) {
    %c0_i32 = arith.constant 0 : i32
    %c0_i32_0 = arith.constant 0 : i32
    %c0_i32_1 = arith.constant 0 : i32
    return %c0_i32, %c0_i32_0 : i32, i32
  }
  func.func @transform_5(%arg0: i32) -> (i32, i32) {
    %c0_i32 = arith.constant 0 : i32
    %c0_i32_0 = arith.constant 0 : i32
    %c0_i32_1 = arith.constant 0 : i32
    return %c0_i32, %c0_i32_0 : i32, i32
  }
  func.func @transform_6(%arg0: i32) -> (i32, i32) {
    %c0_i32 = arith.constant 0 : i32
    %c0_i32_0 = arith.constant 0 : i32
    %c0_i32_1 = arith.constant 0 : i32
    return %c0_i32, %c0_i32_0 : i32, i32
  }
  func.func @transform_7(%arg0: i32) -> (i32, i32) {
    %c0_i32 = arith.constant 0 : i32
    %c0_i32_0 = arith.constant 0 : i32
    %c0_i32_1 = arith.constant 0 : i32
    return %c0_i32, %c0_i32_0 : i32, i32
  }
  func.func @transform_8(%arg0: i32) -> (i32, i32) {
    %c0_i32 = arith.constant 0 : i32
    %c0_i32_0 = arith.constant 0 : i32
    %c0_i32_1 = arith.constant 0 : i32
    return %c0_i32, %c0_i32_0 : i32, i32
  }
  func.func @transform_9(%arg0: i32) -> (i32, i32) {
    %c0_i32 = arith.constant 0 : i32
    %c0_i32_0 = arith.constant 0 : i32
    %c0_i32_1 = arith.constant 0 : i32
    return %c0_i32, %c0_i32_0 : i32, i32
  }
  func.func @transform_10(%arg0: i32) -> (i32, i32) {
    %lt3A = arith.constant 5 : i32
    %lt3A_0 = arith.cmpi slt, %arg0, %lt3A : i32
    %sub3A = arith.constant 5 : i32
    %sub3A_1 = arith.subi %arg0, %sub3A : i32
    %jit3A = arith.constant 0 : i32
    %select_n3A = arith.select %lt3A_0, %jit3A, %sub3A_1 : i32
    %c0_i32 = arith.constant 0 : i32
    %c0_i32_2 = arith.constant 0 : i32
    return %select_n3A, %c0_i32 : i32, i32
  }
}

</mosaic_0001>

<sc_bundles>
// kernel: kernel.4.cloned.1.call-start
scs
__scs_entry_jumppad:
0x0: {  	(pc) =	sbr.rel $0x88, $3  }
0x1: {  	(tag) =	ssettag $0x0;
	lr =	simm.s32 $0x1  }
0x2: {  	[smem:$0x3F97] =	sst lr;
	_ =	strace $0xD0000000  }
0x3: {  	_ = 	snop  }
0x4: {  	_ = 	snop  }
0x5: {  	_ = 	snop  }
0x6: {  	_ = 	snop  }
0x7: {  	_ = 	snop  }
__scs_overlays_trampoline_lowered:
0x8: {  	[smem:$0x3FA6] =	sst s0  }
0x9: {  	[smem:$0x3FA7] =	sst s1  }
0xa: {  	[smem:$0x3FA8] =	sst s2  }
0xb: {  	[smem:$0x3FA9] =	sst s3  }
0xc: {  	[smem:$0x3FAA] =	sst s4  }
0xd: {  	[smem:$0x3FAB] =	sst s5  }
0xe: {  	[smem:$0x3FAC] =	sst s6  }
0xf: {  	[smem:$0x3FAD] =	sst s7  }
0x10: {  	[smem:$0x3FAE] =	sst s8  }
0x11: {  	[smem:$0x3FAF] =	sst s9;
	s0 =	simm.s32 @!p0 $0x0  }
0x12: {  	s1 =	sld [smem:$0x3F95];
	s0 =	simm.s32 @p0 $0x1  }
0x13: {  	[smem:$0x3FB0] =	sst s0;
	s0 =	simm.s32 @!p1 $0x0  }
0x14: {  	s2 =	sld [smem:$0x3F94];
	s0 =	simm.s32 @p1 $0x1  }
0x15: {  	[smem:$0x3FB1] =	sst s0;
	s0 =	simm.s32 @!p2 $0x0  }
0x16: {  	s3 =	sld [smem:$0x3FDB];
	s0 =	simm.s32 @p2 $0x1  }
0x17: {  	s4 =	simm.s32 $0x1BF5;
	[smem:$0x3FB3] =	sst s0  }
0x18: {  	s0 =	sld [smem:$0x3F96];
	_ =	swait.ge [sflag:s4], $0x0  }
0x19: {  	s7 =	sld [smem:$0x3F97]  }
0x1a: {  	s8 =	sadd.s32 $0xFFFFE003, lr  }
0x1b: {  	s9 =	sadd.s32 $0xFFFFFEF7, lr;
	s5 =	simm.s32 $0xFFFFFFFF;
	p2 =	slt.u32 s8, $0xFFFFF086  }
0x1c: {  	p1 =	slt.u32 s9, $0xF7A;
	s5 =	simm.s32 @!p2 $0x0  }
0x1d: {  	s5 =	simm.s32 @p1 $0x1;
	p0 =	seq.s32 s7, s2  }
0x1e: {  	s7 =	smul.u32 @!p0 $0xF7A, s2;
	p2 =	seq.s32 @!p0 s5, $0x0  }
0x1f: {  	s9 =	smul.u32 $0xF7A, s1;
	s8 =	simm.s32 @!p0 $0x1BF5;
	p2 =	por !p2, p0  }
0x20: {  	[sflag:s8] =	ssyncset.s32 @!p0 $0xFFFFF086;
	s6 =	sadd.s32 @!p0 s3, s7;
	s7 =	simm.s32 @!p0 $0x108  }
0x21: {  	s3 =	sadd.s32 s3, s9;
	s6 =	sadd.s32 @!p0 $0x88, s6;
	s7 =	simm.s32 @p2 $0x1082  }
0x22: {  	[simem:s7], [sflag:s8] =	dma.local @!p0 [hbm:s6], $0xF7A  }
0x23: {  	s9 =	sor.u32 $0xD0000000, s2;
	s6 =	simm.s32 $0x108;
	_ =	swait.ge @!p0 [sflag:s8], $0x0  }
0x24: {  	s3 =	sadd.s32 $0x88, s3;
	s6 =	simm.s32 @!p1 $0x1082;
	[sflag:s4] =	ssyncset.s32 $0xFFFFF086  }
0x25: {  	[simem:s6], [sflag:s4] =	dma.local [hbm:s3], $0xF7A  }
0x26: {  	[smem:$0x3F97] =	sst s1;
	(tag) =	ssettag s2;
	_ =	strace s9  }
0x27: {  	s1 =	sld [smem:$0x3FA7]  }
0x28: {  	s2 =	sld [smem:$0x3FA8]  }
0x29: {  	s4 =	sld [smem:$0x3FAA]  }
0x2a: {  	p0 =	seq.s32 s5, $0x0;
	s5 =	sld [smem:$0x3FAB]  }
0x2b: {  	s6 =	sld [smem:$0x3FAC]  }
0x2c: {  	s7 =	sld [smem:$0x3FAD]  }
0x2d: {  	s3 =	simm.s32 $0x108;
	s8 =	sld [smem:$0x3FAE]  }
0x2e: {  	s3 =	simm.s32 @!p0 $0x1082;
	s9 =	sld [smem:$0x3FAF]  }
0x2f: {  	lr =	sadd.s32 s0, s3;
	s0 =	sld [smem:$0x3FA6]  }
0x30: {  	s3 =	sld [smem:$0x3FA9]  }
0x31: {  	[smem:$0x3FB2] =	sst s10  }
0x32: {  	s10 =	sld [smem:$0x3FB0];
	_ =	sdelay $0x3  }
0x33: {  	p0 =	seq.s32 s10, $0x1;
	s10 =	sld [smem:$0x3FB2];
	_ =	sdelay $0x3  }
0x34: {  	[smem:$0x3FB2] =	sst s10  }
0x35: {  	s10 =	sld [smem:$0x3FB1];
	_ =	sdelay $0x3  }
0x36: {  	p1 =	seq.s32 s10, $0x1;
	s10 =	sld [smem:$0x3FB2];
	_ =	sdelay $0x3  }
0x37: {  	[smem:$0x3FB2] =	sst s10  }
0x38: {  	s10 =	sld [smem:$0x3FB3]  }
0x39: {  	_ = 	snop;
	(pc) =	sbr.ind lr, $3  }
0x3a: {  	_ = 	snop  }
0x3b: {  	_ = 	snop  }
0x3c: {  	p2 =	seq.s32 s10, $0x1;
	s10 =	sld [smem:$0x3FB2]  }
0x3d: {  	_ =	shalt  }
0x3e: {  	_ =	shalt  }
0x3f: {  	_ =	shalt  }
0x40: {  	_ =	shalt  }
0x41: {  	_ =	shalt  }
0x42: {  	_ =	shalt  }
0x43: {  	_ =	shalt  }
0x44: {  	_ =	shalt  }
0x45: {  	_ =	shalt  }
0x46: {  	_ =	shalt  }
0x47: {  	_ =	shalt  }
0x48: {  	_ =	shalt  }
0x49: {  	_ =	shalt  }
0x4a: {  	_ =	shalt  }
0x4b: {  	_ =	shalt  }
0x4c: {  	_ =	shalt  }
0x4d: {  	_ =	shalt  }
0x4e: {  	_ =	shalt  }
0x4f: {  	_ =	shalt  }
0x50: {  	_ =	shalt  }
0x51: {  	_ =	shalt  }
0x52: {  	_ =	shalt  }
0x53: {  	_ =	shalt  }
0x54: {  	_ =	shalt  }
0x55: {  	_ =	shalt  }
0x56: {  	_ =	shalt  }
0x57: {  	_ =	shalt  }
0x58: {  	_ =	shalt  }
0x59: {  	_ =	shalt  }
0x5a: {  	_ =	shalt  }
0x5b: {  	_ =	shalt  }
0x5c: {  	_ =	shalt  }
0x5d: {  	_ =	shalt  }
0x5e: {  	_ =	shalt  }
0x5f: {  	_ =	shalt  }
0x60: {  	_ =	shalt  }
0x61: {  	_ =	shalt  }
0x62: {  	_ =	shalt  }
0x63: {  	_ =	shalt  }
0x64: {  	_ =	shalt  }
0x65: {  	_ =	shalt  }
0x66: {  	_ =	shalt  }
0x67: {  	_ =	shalt  }
0x68: {  	_ =	shalt  }
0x69: {  	_ =	shalt  }
0x6a: {  	_ =	shalt  }
0x6b: {  	_ =	shalt  }
0x6c: {  	_ =	shalt  }
0x6d: {  	_ =	shalt  }
0x6e: {  	_ =	shalt  }
0x6f: {  	_ =	shalt  }
0x70: {  	_ =	shalt  }
0x71: {  	_ =	shalt  }
0x72: {  	_ =	shalt  }
0x73: {  	_ =	shalt  }
0x74: {  	_ =	shalt  }
0x75: {  	_ =	shalt  }
0x76: {  	_ =	shalt  }
0x77: {  	_ =	shalt  }
0x78: {  	_ =	shalt  }
0x79: {  	_ =	shalt  }
0x7a: {  	_ =	shalt  }
0x7b: {  	_ =	shalt  }
0x7c: {  	_ =	shalt  }
0x7d: {  	_ =	shalt  }
0x7e: {  	_ =	shalt  }
0x7f: {  	_ =	shalt  }
0x80: {  	_ =	shalt  }
0x81: {  	_ =	shalt  }
0x82: {  	_ =	shalt  }
0x83: {  	_ =	shalt  }
0x84: {  	_ =	shalt  }
0x85: {  	_ =	shalt  }
0x86: {  	_ =	shalt  }
0x87: {  	_ =	shalt  }
.Lfunc_end0:
.L_simem_size_0:
called_computation_lowered:
.L_overlay_start_0:
0x88: {  	s2 =	sld [smem:$0x3FD9]  }
0x89: {  	s3 =	sld [smem:$0x3FFE];
	_ =	sdelay $0x1  }
0x8a: {  	s1 =	srdreg.scid  }
0x8b: {  	s0 =	sand.u32 $0x1, s1  }
0x8c: {  	s17 =	sshll.u32 s0, $0xA;
	s2 =	sadd.s32 s3, s2  }
0x8d: {  	s2 =	sadd.s32 s2, s17  }
0x8e: {  	[smem:$0x3FBE] =	sst s2  }
0x8f: {  	_ = 	snop  }
0x90: {  	s2 =	sld [smem:$0x3FC9]  }
0x91: {  	s18 =	sld [smem:$0x3FD0];
	(tm) =	ssettm $0x1  }
0x92: {  	s4 =	sld [smem:$0x3FFB];
	_ =	sdelay $0x3  }
0x93: {  	_ =	strace s4  }
0x94: {  	s4 =	sld [smem:$0x3FFC];
	_ =	sdelay $0x3  }
0x95: {  	_ =	strace s4  }
0x96: {  	s4 =	sld [smem:$0x3FFD];
	_ =	sdelay $0x3  }
0x97: {  	_ =	strace s4  }
0x98: {  	_ =	strace $0x8FFFFFFF  }
0x99: {  	s19 =	sld [smem:$0x3FDB];
	_ =	sdelay $0x1  }
0x9a: {  	s5 =	simm.s32 $_scs_section_size  }
0x9b: {  	s6 =	simm.s32 $_size__tile_overlayer_lowered;
	s7 =	simm.s32 $_tile_overlayer_lowered  }
0x9c: {  	s22 =	simm.s32 $0x1BFF;
	s21 =	sshll.u32 s7, $0x1;
	s4 =	sadd.s32 s5, s19  }
0x9d: {  	s8 =	simm.s32 $0x0;
	s20 =	sshll.u32 s6, $0x1;
	s6 =	sadd.s32 s21, s4  }
0x9e: {  	[timem:s8], [sflag:s22] =	dma.local [hbm:s6], s20  }
0x9f: {  	_ =	swait.ge [sflag:s22], s20  }
0xa0: {  	s5 =	ssub.s32 $0x0, s20;
	[sflag:s22] =	ssyncset.done $0x0  }
0xa1: {  	[sflag:s22] =	ssyncadd.s32 s5;
	_ =	sdelay $0x1  }
0xa2: {  	s23 =	simm.s32 $0x1B8B  }
0xa3: {  	_ =	swait.ge [sflag:s23], $0x1  }
0xa4: {  	[sflag:s23] =	ssyncset.done $0x0  }
0xa5: {  	s25 =	simm.s32 $0x1B8E;
	s24 =	sld [smem:$0x3FFE];
	[sflag:s23] =	ssyncadd.s32 $0xFFFFFFFF  }
0xa6: {  	s26 =	simm.s32 $execute0_lowered;
	[smem:$0x3FD2] =	sst s25  }
0xa7: {  	s6 =	sshll.u32 s26, $0x1;
	_ =	strace $0x80000046;
	[dreg:$0x1] =	wrdreg $0xFFFFFFFF  }
0xa8: {  	s28 =	simm.s32 $_size_execute0_lowered;
	s4 =	sadd.s32 s4, s6;
	[dreg:$0x0] =	wrdreg $0x0  }
0xa9: {  	s6 =	sshll.u32 s28, $0x1;
	[dreg:$0x2] =	wrdreg s4  }
0xaa: {  	[dreg:$0x3] =	wrdreg s6  }
0xab: {  	[dreg:$0x4] =	wrdreg $0xC0  }
0xac: {  	_ =	task [dreg:s8], $0x5FFFF  }
0xad: {  	[dreg:$0x1] =	wrdreg $0xFFFFFFFF  }
0xae: {  	[dreg:$0x0] =	wrdreg $0x60  }
0xaf: {  	[dreg:$0x2] =	wrdreg s2  }
0xb0: {  	[dreg:$0x3] =	wrdreg s18  }
0xb1: {  	[dreg:$0x4] =	wrdreg s24  }
0xb2: {  	[dreg:$0x5] =	wrdreg $0x70800  }
0xb3: {  	[dreg:$0x6] =	wrdreg $0x9  }
0xb4: {  	_ =	task.clear_ibuf [dreg:s8], $0x7FFFF;
	_ =	strace $0x90000046  }
0xb5: {  	s29 =	simm.s32 $0x9;
	_ =	strace $0x80000048  }
0xb6: {  	_ =	swait.ge [sflag:s29], $0x1  }
0xb7: {  	[sflag:s29] =	ssyncadd.s32 $0xFFFFFFFF  }
0xb8: {  	_ =	strace $0x90000048  }
0xb9: {  	_ =	sfence  }
0xba: {  	s30 =	sld [smem:$0x0];
	_ =	sdelay $0x2  }
0xbb: {  	s31 =	sshll.u32 s1, $0xD;
	s1 =	sshrl.u32 s1, $0x2  }
0xbc: {  	s3 =	sand.u32 $0x4000, s31;
	s1 =	sadd.s32 s1, s30  }
0xbd: {  	s0 =	sor.u32 s3, s0;
	s1 =	sshll.u32 s1, $0x11  }
0xbe: {  	s0 =	sor.u32 s1, s0  }
0xbf: {  	s0 =	sadd.s32 $0x8F2B, s0  }
0xc0: {  	[sflag:s0] =	ssyncadd.remote.s32 $0x1  }
0xc1: {  	_ =	sfence.sel $0xFFFF  }
0xc2: {  	[dreg:$0x0] =	wrdreg $0xFFFFFFFF;
	(pc) =	sbr.abs _section_cstart, $3  }
0xc3: {  	[dreg:$0x1] =	wrdreg $0xFFFFFFFF  }
0xc4: {  	_ =	task.clear_ibuf [dreg:s8], $0x2FFFF;
	_ =	strace $0x9FFFFFFF  }
0xc5: {  	(tm) =	ssettm $0x7FFFFFFF  }
tec
execute0_lowered:
.L_overlay_start_1:
0x0: {  	(tag) =	ssettag $0x1  }
0x1: {  	s0 =	rddreg [dreg:$0x0]  }
0x2: {  	s14 =	rddreg [dreg:$0x1]  }
0x3: {  	s5 =	rddreg [dreg:$0x2]  }
0x4: {  	s1 =	srdreg.scid;
	s3 =	rddreg [dreg:$0x3]  }
0x5: {  	s2 =	rddreg [dreg:$0x4];
	s4 =	simm.s32 $0x0;
	s16 =	simm.s32 $0x2  }
0x6: {  	s17 =	simm.s32 $0x2780;
	s18 =	simm.s32 $0x80;
	s19 =	simm.s32 $0x1  }
0x7: {  	s20 =	simm.s32 $0x6800;
	s21 =	simm.s32 $0x10;
	s6 =	sand.u32 $0x1, s1  }
0x8: {  	s22 =	simm.s32 $0x2700;
	s1 =	stileid.u32;
	s7 =	smul.u32 $0x140000, s6  }
0x9: {  	s23 =	simm.s32 $0x6880;
	s24 =	simm.s32 $0x0;
	s8 =	smul.u32 $0x14000, s1  }
0xa: {  	[smem:$0x7FF] =	sst s4;
	s26 =	sshll.u32 s1, $0x1;
	s9 =	smul.u32 $0x50000, s1  }
0xb: {  	_ =	strace $0x80000047;
	s28 =	ssub.s32 $0x2, s6;
	s30 =	smul.u32 $0x4E20, s1  }
0xc: {  	s11 =	smul.u32 $0x2710, s6;
	s31 =	sshrl.u32 s28, $0x1;
	s7 =	sadd.s32 s8, s7  }
0xd: {  	s8 =	sor.u32 s6, s26;
	s29 =	sshrl.u32 s9, $0x2;
	s13 =	ssub.s32 s28, s31  }
0xe: {  	s11 =	sadd.s32 s11, s30;
	s7 =	sshrl.u32 s7, $0x3;
	s10 =	smul.u32 $0x2710, s8  }
0xf: {  	s15 =	sadd.s32 $0x4E200, s11;
	s12 =	sadd.s32 s7, s5;
	s5 =	sadd.s32 s29, s3  }
0x10: {  	s13 =	smax.u32 s13, $0x1;
	s15 =	sshrl.u32 s15, $0x3;
	s6 =	sadd.s32 $0x4000, s5  }
0x11: {  	s7 =	sadd.s32 $0x8000, s5;
	s8 =	sadd.s32 $0xC000, s5;
	s10 =	sshrl.u32 s10, $0x3  }
0x12: {  	s9 =	sadd.s32 $0x10000, s5;
	s12 =	sadd.s32 $0x1E00, s12;
	s10 =	sadd.s32 s14, s10  }
0x13: {  	v0 =	vimm.f32 $0.0e+00;
	s14 =	sadd.s32 s15, s14;
	s15 =	simm.s32 $0x2800;
	s11 =	sadd.s32 $0xA120, s10  }
.LBB2_1:
0x14: {  	s25 =	simm.s32 $0x10;
	s26 =	sand.u32 $0x3FF0, s4  }
.LBB2_2:
0x15: {  	p0 =	sne.s32 s25, $0x3FF0;
	[tilespmem:s26+$0x2800] =	vst v0;
	s26 =	smov.u32 s25;
	s25 =	sadd.s32 $0x10, s25  }
.Ltmp0:
0x16: {  	(pc) =	sbr.rel @p0 .LBB2_2-.Ltmp0, $2  }
0x17: {  	_ =	sdelay $0x2  }
0x18: {  	s26 =	sand.u32 $0x3FF0, s26  }
0x19: {  	[tilespmem:s26+$0x2800] =	vst v0  }
0x1a: {  	[spmem:s5] =	stream.linear.scatter [tilespmem:s15], [sflag:$0x2], $0x4000, $0x38;
	[tilespmem:$0x1B080] =	vst v63  }
0x1b: {  	_ =	swait.ge [sflag:s16], $0x4000  }
0x1c: {  	[sflag:s16] =	ssyncset.done $0x0  }
0x1d: {  	[sflag:s16] =	ssyncadd.s32 $0xFFFFC000  }
0x1e: {  	[spmem:s6] =	stream.linear.scatter [tilespmem:s15], [sflag:$0x2], $0x4000, $0x38;
	[tilespmem:$0x1B080] =	vst v63  }
0x1f: {  	_ =	swait.ge [sflag:s16], $0x4000  }
0x20: {  	[sflag:s16] =	ssyncset.done $0x0  }
0x21: {  	[sflag:s16] =	ssyncadd.s32 $0xFFFFC000  }
0x22: {  	[spmem:s7] =	stream.linear.scatter [tilespmem:s15], [sflag:$0x2], $0x4000, $0x38;
	[tilespmem:$0x1B080] =	vst v63  }
0x23: {  	_ =	swait.ge [sflag:s16], $0x4000  }
0x24: {  	[sflag:s16] =	ssyncset.done $0x0  }
0x25: {  	[sflag:s16] =	ssyncadd.s32 $0xFFFFC000  }
0x26: {  	[spmem:s8] =	stream.linear.scatter [tilespmem:s15], [sflag:$0x2], $0x4000, $0x38;
	[tilespmem:$0x1B080] =	vst v63  }
0x27: {  	_ =	swait.ge [sflag:s16], $0x4000  }
0x28: {  	[sflag:s16] =	ssyncset.done $0x0  }
0x29: {  	[sflag:s16] =	ssyncadd.s32 $0xFFFFC000  }
0x2a: {  	[spmem:s9] =	stream.linear.scatter [tilespmem:s15], [sflag:$0x2], $0x4000, $0x38;
	[tilespmem:$0x1B080] =	vst v63  }
0x2b: {  	_ =	swait.ge [sflag:s16], $0x4000  }
0x2c: {  	[sflag:s16] =	ssyncset.done $0x0  }
0x2d: {  	[sflag:s16] =	ssyncadd.s32 $0xFFFFC000  }
0x2e: {  	s25 =	simm.s32 $0x0;
	[bflag:$0x0] =	sbarrier.arrive $0xFFFF  }
0x2f: {  	[tilespmem:s25], [sflag:$0x2] =	stream.linear.gather [hbm4b:s10+s25], $0x2710, $0x38;
	[tilespmem:$0x1B080] =	vst v63  }
0x30: {  	_ =	swait.ge [sflag:s16], $0x2710  }
0x31: {  	[sflag:s16] =	ssyncset.done $0x0  }
0x32: {  	s31 =	sadd.s32 $0x0, s14;
	[sflag:s16] =	ssyncadd.s32 $0xFFFFD8F0  }
0x33: {  	[tilespmem:s17], [sflag:$0x2] =	stream.linear.gather [hbm4b:s31+s4], $0x80, $0x38;
	[tilespmem:$0x1B080] =	vst v63  }
0x34: {  	_ =	swait.ge [sflag:s16], $0x80  }
0x35: {  	[sflag:s16] =	ssyncset.done $0x0  }
0x36: {  	[sflag:s16] =	ssyncadd.s32 $0xFFFFFF80  }
0x37: {  	[tilespmem:s15], [sflag:$0x1] =	stream.indirect.gather [hbm4b:s0+s18], $0x80, s25, s18, $0xb8;
	[tilespmem:$0x1B080] =	vst v63  }
0x38: {  	_ =	swait.ge [sflag:s19], $0x4000  }
0x39: {  	[sflag:s19] =	ssyncset.done $0x0  }
0x3a: {  	[sflag:s19] =	ssyncadd.s32 $0xFFFFC000  }
0x3b: {  	[spmem:s3] =	stream.indirect.scatter.add.f32 [tilespmem:s15], [sflag:$0x2], $0x80, s17, s18, $0xb8;
	[tilespmem:$0x1B080] =	vst v63  }
0x3c: {  	s26 =	simm.s32 $0x10;
	_ =	swait.ge [sflag:s16], $0x4000  }
0x3d: {  	s28 =	simm.s32 $0x20;
	s25 =	simm.s32 $0x80;
	[sflag:s16] =	ssyncset.done $0x0  }
.LBB2_4:
0x3e: {  	s29 =	sadd.s32 s26, s14  }
0x3f: {  	[sflag:s16] =	ssyncadd.s32 $0xFFFFC000;
	s26 =	smov.u32 s28;
	s30 =	sadd.s32 $0x10, s28  }
0x40: {  	[tilespmem:s17], [sflag:$0x2] =	stream.linear.gather [hbm4b:s29+s4], $0x80, $0x38;
	[tilespmem:$0x1B080] =	vst v63  }
0x41: {  	p0 =	sne.s32 s28, $0x4D0;
	_ =	swait.ge [sflag:s16], $0x80  }
0x42: {  	[sflag:s16] =	ssyncset.done $0x0  }
0x43: {  	[sflag:s16] =	ssyncadd.s32 $0xFFFFFF80  }
0x44: {  	[tilespmem:s15], [sflag:$0x1] =	stream.indirect.gather [hbm4b:s0+s18], $0x80, s25, s18, $0xb8;
	[tilespmem:$0x1B080] =	vst v63  }
0x45: {  	_ =	swait.ge [sflag:s19], $0x4000  }
.Ltmp1:
0x46: {  	[sflag:s19] =	ssyncset.done $0x0;
	(pc) =	sbr.rel @p0 .LBB2_4-.Ltmp1, $4  }
0x47: {  	[sflag:s19] =	ssyncadd.s32 $0xFFFFC000  }
0x48: {  	[spmem:s3] =	stream.indirect.scatter.add.f32 [tilespmem:s15], [sflag:$0x2], $0x80, s17, s18, $0xb8;
	[tilespmem:$0x1B080] =	vst v63  }
0x49: {  	_ =	swait.ge [sflag:s16], $0x4000  }
0x4a: {  	s28 =	smov.u32 s30;
	s25 =	sadd.s32 $0x80, s25;
	[sflag:s16] =	ssyncset.done $0x0  }
0x4b: {  	s26 =	sadd.s32 s26, s14;
	[sflag:s16] =	ssyncadd.s32 $0xFFFFC000  }
0x4c: {  	[tilespmem:s17], [sflag:$0x2] =	stream.linear.gather [hbm4b:s26+s4], $0x80, $0x38;
	[tilespmem:$0x1B080] =	vst v63  }
0x4d: {  	_ =	swait.ge [sflag:s16], $0x80  }
0x4e: {  	[sflag:s16] =	ssyncset.done $0x0  }
0x4f: {  	[sflag:s16] =	ssyncadd.s32 $0xFFFFFF80  }
0x50: {  	[tilespmem:s15], [sflag:$0x1] =	stream.indirect.gather [hbm4b:s0+s18], $0x80, s25, s18, $0xb8;
	[tilespmem:$0x1B080] =	vst v63  }
0x51: {  	_ =	swait.ge [sflag:s19], $0x4000  }
0x52: {  	[sflag:s19] =	ssyncset.done $0x0  }
0x53: {  	[sflag:s19] =	ssyncadd.s32 $0xFFFFC000  }
0x54: {  	[spmem:s3] =	stream.indirect.scatter.add.f32 [tilespmem:s15], [sflag:$0x2], $0x80, s17, s18, $0xb8;
	[tilespmem:$0x1B080] =	vst v63  }
0x55: {  	_ =	swait.ge [sflag:s16], $0x4000  }
0x56: {  	[sflag:s16] =	ssyncset.done $0x0  }
0x57: {  	[sflag:s16] =	ssyncadd.s32 $0xFFFFC000  }
0x58: {  	[tilespmem:s20], [sflag:$0x2] =	stream.linear.gather [hbm4b:s11+s4], $0x10, $0x38;
	[tilespmem:$0x1B080] =	vst v63  }
0x59: {  	_ =	swait.ge [sflag:s16], $0x10  }
0x5a: {  	[sflag:s16] =	ssyncset.done $0x0  }
0x5b: {  	[sflag:s16] =	ssyncadd.s32 $0xFFFFFFF0  }
0x5c: {  	[tilespmem:s23], [sflag:$0x1] =	stream.indirect.gather [hbm4b:s0+s21], $0x80, s22, s21, $0xb8;
	[tilespmem:$0x1B080] =	vst v63  }
0x5d: {  	_ =	swait.ge [sflag:s19], $0x800  }
0x5e: {  	[sflag:s19] =	ssyncset.done $0x0  }
0x5f: {  	[sflag:s19] =	ssyncadd.s32 $0xFFFFF800  }
0x60: {  	[spmem:s3] =	stream.indirect.scatter.add.f32 [tilespmem:s23], [sflag:$0x2], $0x80, s20, s21, $0xb8;
	[tilespmem:$0x1B080] =	vst v63  }
0x61: {  	_ =	swait.ge [sflag:s16], $0x800  }
0x62: {  	s30 =	sshll.u32 s1, $0x6;
	s24 =	sadd.s32 $0x1, s24;
	[sflag:s16] =	ssyncset.done $0x0  }
0x63: {  	s31 =	sshrl.u32 s5, $0x3;
	p0 =	sne.s32 s24, s13;
	[sflag:s16] =	ssyncadd.s32 $0xFFFFF800  }
.Ltmp2:
0x64: {  	s25 =	sor.u32 $0x1C02, s30;
	[bflag:$0x0] =	sbarrier.arrive $0xFFFF;
	(pc) =	sbr.rel @p0 .LBB2_1-.Ltmp2, $4  }
0x65: {  	[hbm:s12], [sflag:s25] =	dma.local [spmem:s31], $0x2800  }
0x66: {  	_ =	swait.ge [sflag:s16], $0x2800  }
0x67: {  	[sflag:s16] =	ssyncset.done $0x0  }
0x68: {  	[sflag:s16] =	ssyncadd.s32 $0xFFFFD800  }
0x69: {  	_ =	sfence.sel $0x180000  }
0x6a: {  	[bflag:$0x0] =	sbarrier.arrive $0xFFFF  }
0x6b: {  	p0 =	sne.s32 s1, $0x0;
	_ =	strace $0x90000047  }
0x6c: {  	s0 =	sadd.s32 @!p0 $0x100000, s2;
	[bflag:$0x2] =	sbarrier.arrive $0xFFFF  }
0x6d: {  	[sflag:s0] =	ssyncadd.tile.s32 @!p0 $0x1;
	_ =	shalt  }
.Lfunc_end2:
_tile_overlayer_lowered:
.L_overlay_start_2:
0x6e: {  	(tag) =	ssettag $0x2  }
0x6f: {  	s0 =	rddreg [dreg:$0x0];
	s2 =	stileid.u32  }
0x70: {  	s1 =	rddreg [dreg:$0x1];
	p0 =	sne.s32 s2, $0x0  }
0x71: {  	s3 =	rddreg [dreg:$0x2];
	[bflag:$0x3] =	sbarrier.arrive $0xFFFF;
	s2 =	simm.s32 @!p0 $0x1C02  }
0x72: {  	[timem:s3], [sflag:s2] =	dma.local @!p0 [hbm:s0], s1  }
0x73: {  	s0 =	simm.s32 @!p0 $0x2  }
0x74: {  	_ =	swait.ge @!p0 [sflag:s0], s1  }
0x75: {  	s1 =	ssub.s32 @!p0 $0x0, s1;
	[sflag:s0] =	ssyncset.done @!p0 $0x0  }
0x76: {  	[sflag:s0] =	ssyncadd.s32 @!p0 s1  }
0x77: {  	[bflag:$0x3] =	sbarrier.arrive $0xFFFF  }
0x78: {  	_ =	shalt  }

</sc_bundles>
